<compile_context>
chip_gen: v7x
topology: tpu7x:2x2x1
jax: 0.10.2.dev20260603
libtpu: 0.0.44.dev20260713+nightly
codegen_flags: <defaults>
</compile_context>

<pallas_src>
import functools

import jax
import jax.numpy as jnp
from jax import lax
from jax.experimental import pallas as pl
from jax.experimental.pallas import tpu as pltpu
from jax.experimental.pallas import tpu_sc as plsc

N = 10000
D = 128
E = 320000

NC = 2
NS = 16
NW = NC * NS
NP = 10240
RPT = NP // NS
CHUNK = 128
ERW = 80
EP = NW * ERW * CHUNK
_MESH = dict(core_axis_name="c", subcore_axis_name="s")


@functools.partial(
    pl.kernel,
    mesh=plsc.VectorSubcoreMesh(**_MESH),
    out_type=jax.ShapeDtypeStruct((NC, NP, D), jnp.float32),
    scratch_types=[
        pltpu.VMEM((ERW, CHUNK), jnp.int32),
        pltpu.VMEM((CHUNK, D), jnp.float32),
        pltpu.VMEM_SHARED((NP, D), jnp.float32),
    ],
)
def _deg_pass(col2_hbm, zeros_hbm, ones_hbm, out_hbm, dsts_v, ones_v, acc_sh):
    c = lax.axis_index("c")
    s = lax.axis_index("s")
    wid = c * NS + s
    pltpu.sync_copy(ones_hbm, ones_v)
    pltpu.sync_copy(col2_hbm.at[pl.ds(wid * ERW, ERW)], dsts_v)
    pltpu.sync_copy(
        zeros_hbm.at[pl.ds(s * RPT, RPT)], acc_sh.at[pl.ds(s * RPT, RPT)]
    )
    plsc.subcore_barrier()

    def body(j, carry):
        pltpu.sync_copy(ones_v, acc_sh.at[dsts_v.at[j]], add=True)
        return carry

    lax.fori_loop(0, ERW, body, 0)
    plsc.subcore_barrier()
    pltpu.sync_copy(
        acc_sh.at[pl.ds(s * RPT, RPT)], out_hbm.at[c, pl.ds(s * RPT, RPT)]
    )


@functools.partial(
    pl.kernel,
    mesh=plsc.VectorSubcoreMesh(**_MESH),
    out_type=jax.ShapeDtypeStruct((NC, NP, D), jnp.float32),
    scratch_types=[
        pltpu.VMEM((ERW // 2, CHUNK), jnp.int32),
        pltpu.VMEM((ERW // 2, CHUNK), jnp.int32),
        pltpu.VMEM((CHUNK, D), jnp.float32),
        pltpu.VMEM((CHUNK, D), jnp.float32),
        pltpu.VMEM_SHARED((NP, D), jnp.float32),
        pltpu.SemaphoreType.DMA,
        pltpu.SemaphoreType.DMA,
    ],
)
def _edge_pass(h_hbm, row2_hbm, col2_hbm, zeros_hbm, out_hbm,
               srcs_v, dsts_v, rows0_v, rows1_v, acc_sh, sem0, sem1):
    c = lax.axis_index("c")
    s = lax.axis_index("s")
    wid = c * NS + s
    HALF = ERW // 2
    pltpu.sync_copy(
        zeros_hbm.at[pl.ds(s * RPT, RPT)], acc_sh.at[pl.ds(s * RPT, RPT)]
    )
    plsc.subcore_barrier()

    for half in range(2):
        hbase = wid * ERW + half * HALF
        pltpu.sync_copy(row2_hbm.at[pl.ds(hbase, HALF)], srcs_v)
        pltpu.sync_copy(col2_hbm.at[pl.ds(hbase, HALF)], dsts_v)

        pltpu.async_copy(h_hbm.at[srcs_v.at[0]], rows0_v, sem0)

        def body(j, carry):
            even = j % 2 == 0

            def step(rows_v, sem, nrows_v, nsem):
                @pl.when(j + 1 < HALF)
                def _():
                    pltpu.async_copy(h_hbm.at[srcs_v.at[j + 1]], nrows_v, nsem)

                pltpu.make_async_copy(
                    h_hbm.at[srcs_v.at[j]], rows_v, sem
                ).wait()
                pltpu.sync_copy(rows_v, acc_sh.at[dsts_v.at[j]], add=True)

            @pl.when(even)
            def _():
                step(rows0_v, sem0, rows1_v, sem1)

            @pl.when(jnp.logical_not(even))
            def _():
                step(rows1_v, sem1, rows0_v, sem0)

            return carry

        lax.fori_loop(0, HALF, body, 0)

    plsc.subcore_barrier()
    pltpu.sync_copy(
        acc_sh.at[pl.ds(s * RPT, RPT)], out_hbm.at[c, pl.ds(s * RPT, RPT)]
    )


def _dinv_from_degs(degs):
    return lax.rsqrt(1.0 + degs)


def _mm_body(degp_ref, x_ref, w_ref, o_ref):
    dinv = _dinv_from_degs(degp_ref[...])
    h = jnp.dot(x_ref[...], w_ref[...], preferred_element_type=jnp.float32)
    o_ref[pl.ds(0, N), :] = h * dinv[:N]
    o_ref[pl.ds(N, NP - N), :] = jnp.zeros((NP - N, D), jnp.float32)


def _epi_mid_body(degp_ref, p_ref, h_ref, b_ref, g_ref, be_ref, a_ref,
                  w2_ref, o_ref):
    dinv = _dinv_from_degs(degp_ref[...])[:N]
    p = p_ref[...]
    h = h_ref[pl.ds(0, N), :]
    pre = dinv * (p[0, :N] + p[1, :N] + h) + b_ref[...]
    mu = jnp.mean(pre, axis=0, keepdims=True)
    var = jnp.mean((pre - mu) ** 2, axis=0, keepdims=True)
    z = (pre - mu) * lax.rsqrt(var + 1e-5) * g_ref[...] + be_ref[...]
    z = jnp.where(z > 0, z, a_ref[0, 0] * z)
    o_ref[pl.ds(0, N), :] = dinv * jnp.dot(
        z, w2_ref[...], preferred_element_type=jnp.float32
    )
    o_ref[pl.ds(N, NP - N), :] = jnp.zeros((NP - N, D), jnp.float32)


def _epi_fin_body(degp_ref, p_ref, h_ref, b_ref, g_ref, be_ref, a_ref, o_ref):
    dinv = _dinv_from_degs(degp_ref[...])[:N]
    p = p_ref[...]
    h = h_ref[pl.ds(0, N), :]
    pre = dinv * (p[0, :N] + p[1, :N] + h) + b_ref[...]
    mu = jnp.mean(pre, axis=0, keepdims=True)
    var = jnp.mean((pre - mu) ** 2, axis=0, keepdims=True)
    z = (pre - mu) * lax.rsqrt(var + 1e-5) * g_ref[...] + be_ref[...]
    o_ref[...] = jnp.where(z > 0, z, a_ref[0, 0] * z)


_mm = pl.pallas_call(
    _mm_body, out_shape=jax.ShapeDtypeStruct((NP, D), jnp.float32)
)
_epi_mid = pl.pallas_call(
    _epi_mid_body, out_shape=jax.ShapeDtypeStruct((NP, D), jnp.float32)
)
_epi_fin = pl.pallas_call(
    _epi_fin_body, out_shape=jax.ShapeDtypeStruct((N, D), jnp.float32)
)


def kernel(x, edge_index, W1, b1, g1, be1, a1, W2, b2, g2, be2, a2):
    pad = (N + jnp.arange(EP - E, dtype=jnp.int32) % (NP - N)).astype(jnp.int32)
    row2 = jnp.concatenate([edge_index[0], pad]).reshape(ERW * NW, CHUNK)
    col2 = jnp.concatenate([edge_index[1], pad]).reshape(ERW * NW, CHUNK)
    zeros_nd = jnp.zeros((NP, D), jnp.float32)
    ones_cd = jnp.ones((CHUNK, D), jnp.float32)

    degp = _deg_pass(col2, zeros_nd, ones_cd)
    degs = (degp[0, :, 0] + degp[1, :, 0]).reshape(NP, 1)
    h1 = _mm(degs, x, W1)
    p1 = _edge_pass(h1, row2, col2, zeros_nd)
    h2 = _epi_mid(degs, p1, h1, b1.reshape(1, D), g1.reshape(1, D),
                  be1.reshape(1, D), a1.reshape(1, 1), W2)
    p2 = _edge_pass(h2, row2, col2, zeros_nd)
    out = _epi_fin(degs, p2, h2, b2.reshape(1, D), g2.reshape(1, D),
                   be2.reshape(1, D), a2.reshape(1, 1))
    return out

# --- scband reference (transcript-rebuilt; emitter-appended) ---
"""Pipeline reference for scband-graph-encoder-91122026152232 (READ-ONLY COPY).

The authoritative reference and input builder live on the scoring server;
editing this copy changes nothing except your own understanding.
"""

import jax, jax.numpy as jnp
import numpy as np

N = 10000
D = 128
E = 320000


def gcn_conv(x, row, col, W, b, n):
    # GCNConv: h = X W; out[i] = sum_j norm(j,i) * h[j] + b  (self loops already in row/col)
    h = x @ W
    deg = jnp.zeros((n,), h.dtype).at[col].add(jnp.ones((row.shape[0],), h.dtype))
    dinv = jnp.where(deg > 0, jax.lax.rsqrt(deg), 0.0)
    norm = dinv[row] * dinv[col]
    msg = h[row] * norm[:, None]
    out = jnp.zeros((n, h.shape[1]), h.dtype).at[col].add(msg)
    return out + b


def batchnorm(x, gamma, beta, eps=1e-5):
    mu = jnp.mean(x, axis=0)
    var = jnp.var(x, axis=0)
    return (x - mu) * jax.lax.rsqrt(var + eps) * gamma + beta


def prelu(x, alpha):
    return jnp.where(x > 0, x, alpha * x)


def setup_inputs(seed: int = 0) -> dict:
    key = jax.random.key(seed)
    ks = jax.random.split(key, 8)
    x = jax.random.normal(ks[0], (N, D), jnp.float32)
    edge_index = jax.random.randint(ks[1], (2, E), 0, N, jnp.int32)
    s = 1.0 / np.sqrt(D)
    W1 = jax.random.uniform(ks[2], (D, D), jnp.float32, -s, s)
    b1 = jnp.zeros((D,), jnp.float32)
    g1 = jnp.ones((D,), jnp.float32)
    be1 = jnp.zeros((D,), jnp.float32)
    a1 = jnp.array(0.25, jnp.float32)
    W2 = jax.random.uniform(ks[3], (D, D), jnp.float32, -s, s)
    b2 = jnp.zeros((D,), jnp.float32)
    g2 = jnp.ones((D,), jnp.float32)
    be2 = jnp.zeros((D,), jnp.float32)
    a2 = jnp.array(0.25, jnp.float32)
    return {"x": x, "edge_index": edge_index, "W1": W1, "b1": b1, "g1": g1, "be1": be1, "a1": a1,
            "W2": W2, "b2": b2, "g2": g2, "be2": be2, "a2": a2}


def reference(x, edge_index, W1, b1, g1, be1, a1, W2, b2, g2, be2, a2):
    loops = jnp.arange(N, dtype=edge_index.dtype)
    row = jnp.concatenate([edge_index[0], loops])
    col = jnp.concatenate([edge_index[1], loops])
    h = gcn_conv(x, row, col, W1, b1, N)
    h = batchnorm(h, g1, be1)
    h = prelu(h, a1)
    h = gcn_conv(h, row, col, W2, b2, N)
    h = batchnorm(h, g2, be2)
    h = prelu(h, a2)
    return h

if __name__ == "__main__":
    import jax
    _d = setup_inputs()
    print(jax.jit(kernel)(*tuple(_d.values())))

</pallas_src>

<mosaic_0001>
#map = affine_map<(d0, d1) -> (0, 0)>
#map1 = affine_map<(d0, d1) -> (0, 0, 0)>
module attributes {stable_mosaic.version = 14 : i64} {
  func.func @_deg_pass(%arg0: i32, %arg1: i32, %arg2: memref<2560x128xi32, #tpu.memory_space<hbm>>, %arg3: memref<10240x128xf32, #tpu.memory_space<hbm>>, %arg4: memref<128x128xf32, #tpu.memory_space<hbm>>, %arg5: memref<2x10240x128xf32, #tpu.memory_space<hbm>>, %arg6: memref<80x128xi32, #tpu.memory_space<vmem>>, %arg7: memref<128x128xf32, #tpu.memory_space<vmem>>, %arg8: memref<10240x128xf32, #tpu.memory_space<vmem_shared>>) attributes {dimension_semantics = [#tpu.dimension_semantics<core_parallel>, #tpu.dimension_semantics<subcore_parallel>], iteration_bounds = array<i64: 2, 16>, scalar_prefetch = 0 : i64, scratch_operands = 3 : i64, tpu.core_type = #tpu.core_type<sc_vector_subcore>, window_params = [{transform_indices = #map}, {transform_indices = #map}, {transform_indices = #map}, {transform_indices = #map1}]} {
    %mul3A = arith.constant 16 : i32
    %mul3A_0 = arith.muli %arg0, %mul3A : i32
    %add3A = arith.addi %mul3A_0, %arg1 : i32
    "tpu.region"() ({
      %run_scoped3A = tpu.sem_alloc : memref<!tpu.dma_semaphore, #tpu.memory_space<semaphore_mem>>
      tpu.enqueue_dma source(%arg4 : memref<128x128xf32, #tpu.memory_space<hbm>>) target(%arg7 : memref<128x128xf32, #tpu.memory_space<vmem>>) target_semaphore(%run_scoped3A : memref<!tpu.dma_semaphore, #tpu.memory_space<semaphore_mem>>)
      tpu.wait_dma2 semaphore(%run_scoped3A : memref<!tpu.dma_semaphore, #tpu.memory_space<semaphore_mem>>) src(%arg4 : memref<128x128xf32, #tpu.memory_space<hbm>>) dst(%arg7 : memref<128x128xf32, #tpu.memory_space<vmem>>)
      tpu.yield
    }) : () -> ()
    %mul3A_1 = arith.constant 80 : i32
    %mul3A_2 = arith.muli %add3A, %mul3A_1 : i32
    "tpu.region"() ({
      %run_scoped3A = tpu.sem_alloc : memref<!tpu.dma_semaphore, #tpu.memory_space<semaphore_mem>>
      %dma_start3A = arith.constant 0 : i32
      %dma_start3A_17 = tpu.memref_slice %arg2[%mul3A_2, %dma_start3A] : memref<2560x128xi32, #tpu.memory_space<hbm>> -> memref<80x128xi32, #tpu.memory_space<hbm>>
      %dma_start3A_18 = arith.constant 0 : i32
      %dma_start3A_19 = tpu.memref_slice %arg2[%mul3A_2, %dma_start3A_18] : memref<2560x128xi32, #tpu.memory_space<hbm>> -> memref<80x128xi32, #tpu.memory_space<hbm>>
      tpu.enqueue_dma source(%dma_start3A_19 : memref<80x128xi32, #tpu.memory_space<hbm>>) target(%arg6 : memref<80x128xi32, #tpu.memory_space<vmem>>) target_semaphore(%run_scoped3A : memref<!tpu.dma_semaphore, #tpu.memory_space<semaphore_mem>>)
      %dma_wait3A = arith.constant 0 : i32
      %dma_wait3A_20 = tpu.memref_slice %arg2[%mul3A_2, %dma_wait3A] : memref<2560x128xi32, #tpu.memory_space<hbm>> -> memref<80x128xi32, #tpu.memory_space<hbm>>
      %dma_wait3A_21 = arith.constant 0 : i32
      %dma_wait3A_22 = tpu.memref_slice %arg2[%mul3A_2, %dma_wait3A_21] : memref<2560x128xi32, #tpu.memory_space<hbm>> -> memref<80x128xi32, #tpu.memory_space<hbm>>
      tpu.wait_dma2 semaphore(%run_scoped3A : memref<!tpu.dma_semaphore, #tpu.memory_space<semaphore_mem>>) src(%dma_wait3A_22 : memref<80x128xi32, #tpu.memory_space<hbm>>) dst(%arg6 : memref<80x128xi32, #tpu.memory_space<vmem>>)
      tpu.yield
    }) : () -> ()
    %mul3A_3 = arith.constant 640 : i32
    %mul3A_4 = arith.muli %arg1, %mul3A_3 : i32
    %mul3A_5 = arith.constant 640 : i32
    %mul3A_6 = arith.muli %arg1, %mul3A_5 : i32
    "tpu.region"() ({
      %run_scoped3A = tpu.sem_alloc : memref<!tpu.dma_semaphore, #tpu.memory_space<semaphore_mem>>
      %dma_start3A = arith.constant 0 : i32
      %dma_start3A_17 = tpu.memref_slice %arg8[%mul3A_6, %dma_start3A] : memref<10240x128xf32, #tpu.memory_space<vmem_shared>> -> memref<640x128xf32, #tpu.memory_space<vmem_shared>>
      %dma_start3A_18 = arith.constant 0 : i32
      %dma_start3A_19 = tpu.memref_slice %arg3[%mul3A_4, %dma_start3A_18] : memref<10240x128xf32, #tpu.memory_space<hbm>> -> memref<640x128xf32, #tpu.memory_space<hbm>>
      tpu.enqueue_dma source(%dma_start3A_19 : memref<640x128xf32, #tpu.memory_space<hbm>>) target(%dma_start3A_17 : memref<640x128xf32, #tpu.memory_space<vmem_shared>>) target_semaphore(%run_scoped3A : memref<!tpu.dma_semaphore, #tpu.memory_space<semaphore_mem>>)
      %dma_wait3A = arith.constant 0 : i32
      %dma_wait3A_20 = tpu.memref_slice %arg8[%mul3A_6, %dma_wait3A] : memref<10240x128xf32, #tpu.memory_space<vmem_shared>> -> memref<640x128xf32, #tpu.memory_space<vmem_shared>>
      %dma_wait3A_21 = arith.constant 0 : i32
      %dma_wait3A_22 = tpu.memref_slice %arg3[%mul3A_4, %dma_wait3A_21] : memref<10240x128xf32, #tpu.memory_space<hbm>> -> memref<640x128xf32, #tpu.memory_space<hbm>>
      tpu.wait_dma2 semaphore(%run_scoped3A : memref<!tpu.dma_semaphore, #tpu.memory_space<semaphore_mem>>) src(%dma_wait3A_22 : memref<640x128xf32, #tpu.memory_space<hbm>>) dst(%dma_wait3A_20 : memref<640x128xf32, #tpu.memory_space<vmem_shared>>)
      tpu.yield
    }) : () -> ()
    %barrier3A = arith.constant 0 : index
    tpu.barrier barrier_id(%barrier3A)
    %scan3A = arith.constant 0 : i32
    %scan3A_7 = arith.constant 0 : i32
    %scan3A_8 = arith.constant 80 : i32
    %scan3A_9 = arith.addi %scan3A_7, %scan3A_8 : i32
    %scan3A_10 = arith.constant 1 : i32
    scf.for %scan3A_17 = %scan3A_7 to %scan3A_9 step %scan3A_10  : i32 {
      "tpu.region"() ({
        %run_scoped3A = tpu.sem_alloc : memref<!tpu.dma_semaphore, #tpu.memory_space<semaphore_mem>>
        %dma_start3A = arith.constant 0 : i32
        %dma_start3A_18 = tpu.memref_slice %arg6[%scan3A_17, %dma_start3A] : memref<80x128xi32, #tpu.memory_space<vmem>> -> memref<1x128xi32, #tpu.memory_space<vmem>>
        %dma_start3A_19 = tpu.memref_squeeze %dma_start3A_18 : memref<1x128xi32, #tpu.memory_space<vmem>> -> memref<128xi32, #tpu.memory_space<vmem>>
        %dma_start3A_20 = arith.constant 0 : i32
        %dma_start3A_21 = arith.constant 0 : i32
        %dma_start3A_22 = tpu.memref_slice %arg8[%dma_start3A_20, %dma_start3A_21] : memref<10240x128xf32, #tpu.memory_space<vmem_shared>> -> memref<10240x128xf32, #tpu.memory_space<vmem_shared>>
        tpu.enqueue_indirect_dma source(%arg7 : memref<128x128xf32, #tpu.memory_space<vmem>>) target(%dma_start3A_22 : memref<10240x128xf32, #tpu.memory_space<vmem_shared>>) offsets(%dma_start3A_19 : memref<128xi32, #tpu.memory_space<vmem>>) semaphore(%run_scoped3A : memref<!tpu.dma_semaphore, #tpu.memory_space<semaphore_mem>>) {add = true}
        %dma_wait3A = arith.constant 0 : i32
        %dma_wait3A_23 = tpu.memref_slice %arg6[%scan3A_17, %dma_wait3A] : memref<80x128xi32, #tpu.memory_space<vmem>> -> memref<1x128xi32, #tpu.memory_space<vmem>>
        %dma_wait3A_24 = tpu.memref_squeeze %dma_wait3A_23 : memref<1x128xi32, #tpu.memory_space<vmem>> -> memref<128xi32, #tpu.memory_space<vmem>>
        %dma_wait3A_25 = arith.constant 0 : i32
        %dma_wait3A_26 = arith.constant 0 : i32
        %dma_wait3A_27 = tpu.memref_slice %arg8[%dma_wait3A_25, %dma_wait3A_26] : memref<10240x128xf32, #tpu.memory_space<vmem_shared>> -> memref<10240x128xf32, #tpu.memory_space<vmem_shared>>
        tpu.wait_indirect_dma semaphore(%run_scoped3A : memref<!tpu.dma_semaphore, #tpu.memory_space<semaphore_mem>>) src(%arg7 : memref<128x128xf32, #tpu.memory_space<vmem>>) dst(%dma_wait3A_27 : memref<10240x128xf32, #tpu.memory_space<vmem_shared>>)
        tpu.yield
      }) : () -> ()
    }
    %scan3A_11 = arith.constant 80 : i32
    %barrier3A_12 = arith.constant 0 : index
    tpu.barrier barrier_id(%barrier3A_12)
    %mul3A_13 = arith.constant 640 : i32
    %mul3A_14 = arith.muli %arg1, %mul3A_13 : i32
    %mul3A_15 = arith.constant 640 : i32
    %mul3A_16 = arith.muli %arg1, %mul3A_15 : i32
    "tpu.region"() ({
      %run_scoped3A = tpu.sem_alloc : memref<!tpu.dma_semaphore, #tpu.memory_space<semaphore_mem>>
      %dma_start3A = arith.constant 0 : i32
      %dma_start3A_17 = tpu.memref_slice %arg5[%arg0, %mul3A_16, %dma_start3A] : memref<2x10240x128xf32, #tpu.memory_space<hbm>> -> memref<1x640x128xf32, #tpu.memory_space<hbm>>
      %dma_start3A_18 = tpu.memref_squeeze %dma_start3A_17 : memref<1x640x128xf32, #tpu.memory_space<hbm>> -> memref<640x128xf32, #tpu.memory_space<hbm>>
      %dma_start3A_19 = arith.constant 0 : i32
      %dma_start3A_20 = tpu.memref_slice %arg8[%mul3A_14, %dma_start3A_19] : memref<10240x128xf32, #tpu.memory_space<vmem_shared>> -> memref<640x128xf32, #tpu.memory_space<vmem_shared>>
      tpu.enqueue_dma source(%dma_start3A_20 : memref<640x128xf32, #tpu.memory_space<vmem_shared>>) target(%dma_start3A_18 : memref<640x128xf32, #tpu.memory_space<hbm>>) target_semaphore(%run_scoped3A : memref<!tpu.dma_semaphore, #tpu.memory_space<semaphore_mem>>)
      %dma_wait3A = arith.constant 0 : i32
      %dma_wait3A_21 = tpu.memref_slice %arg5[%arg0, %mul3A_16, %dma_wait3A] : memref<2x10240x128xf32, #tpu.memory_space<hbm>> -> memref<1x640x128xf32, #tpu.memory_space<hbm>>
      %dma_wait3A_22 = tpu.memref_squeeze %dma_wait3A_21 : memref<1x640x128xf32, #tpu.memory_space<hbm>> -> memref<640x128xf32, #tpu.memory_space<hbm>>
      %dma_wait3A_23 = arith.constant 0 : i32
      %dma_wait3A_24 = tpu.memref_slice %arg8[%mul3A_14, %dma_wait3A_23] : memref<10240x128xf32, #tpu.memory_space<vmem_shared>> -> memref<640x128xf32, #tpu.memory_space<vmem_shared>>
      tpu.wait_dma2 semaphore(%run_scoped3A : memref<!tpu.dma_semaphore, #tpu.memory_space<semaphore_mem>>) src(%dma_wait3A_24 : memref<640x128xf32, #tpu.memory_space<vmem_shared>>) dst(%dma_wait3A_22 : memref<640x128xf32, #tpu.memory_space<hbm>>)
      tpu.yield
    }) : () -> ()
    return
  }
}

#map = affine_map<(d0, d1) -> (0, 0)>
#map1 = affine_map<(d0, d1) -> (0, 0, 0)>
module attributes {stable_mosaic.version = 14 : i64} {
  func.func @_edge_pass(%arg0: i32, %arg1: i32, %arg2: memref<10240x128xf32, #tpu.memory_space<hbm>>, %arg3: memref<2560x128xi32, #tpu.memory_space<hbm>>, %arg4: memref<2560x128xi32, #tpu.memory_space<hbm>>, %arg5: memref<10240x128xf32, #tpu.memory_space<hbm>>, %arg6: memref<2x10240x128xf32, #tpu.memory_space<hbm>>, %arg7: memref<40x128xi32, #tpu.memory_space<vmem>>, %arg8: memref<40x128xi32, #tpu.memory_space<vmem>>, %arg9: memref<128x128xf32, #tpu.memory_space<vmem>>, %arg10: memref<128x128xf32, #tpu.memory_space<vmem>>, %arg11: memref<10240x128xf32, #tpu.memory_space<vmem_shared>>, %arg12: memref<!tpu.dma_semaphore, #tpu.memory_space<semaphore_mem>>, %arg13: memref<!tpu.dma_semaphore, #tpu.memory_space<semaphore_mem>>) attributes {dimension_semantics = [#tpu.dimension_semantics<core_parallel>, #tpu.dimension_semantics<subcore_parallel>], iteration_bounds = array<i64: 2, 16>, scalar_prefetch = 0 : i64, scratch_operands = 7 : i64, tpu.core_type = #tpu.core_type<sc_vector_subcore>, window_params = [{transform_indices = #map}, {transform_indices = #map}, {transform_indices = #map}, {transform_indices = #map}, {transform_indices = #map1}]} {
    %mul3A = arith.constant 16 : i32
    %mul3A_0 = arith.muli %arg0, %mul3A : i32
    %add3A = arith.addi %mul3A_0, %arg1 : i32
    %mul3A_1 = arith.constant 640 : i32
    %mul3A_2 = arith.muli %arg1, %mul3A_1 : i32
    %mul3A_3 = arith.constant 640 : i32
    %mul3A_4 = arith.muli %arg1, %mul3A_3 : i32
    "tpu.region"() ({
      %run_scoped3A = tpu.sem_alloc : memref<!tpu.dma_semaphore, #tpu.memory_space<semaphore_mem>>
      %dma_start3A_42 = arith.constant 0 : i32
      %dma_start3A_43 = tpu.memref_slice %arg11[%mul3A_4, %dma_start3A_42] : memref<10240x128xf32, #tpu.memory_space<vmem_shared>> -> memref<640x128xf32, #tpu.memory_space<vmem_shared>>
      %dma_start3A_44 = arith.constant 0 : i32
      %dma_start3A_45 = tpu.memref_slice %arg5[%mul3A_2, %dma_start3A_44] : memref<10240x128xf32, #tpu.memory_space<hbm>> -> memref<640x128xf32, #tpu.memory_space<hbm>>
      tpu.enqueue_dma source(%dma_start3A_45 : memref<640x128xf32, #tpu.memory_space<hbm>>) target(%dma_start3A_43 : memref<640x128xf32, #tpu.memory_space<vmem_shared>>) target_semaphore(%run_scoped3A : memref<!tpu.dma_semaphore, #tpu.memory_space<semaphore_mem>>)
      %dma_wait3A = arith.constant 0 : i32
      %dma_wait3A_46 = tpu.memref_slice %arg11[%mul3A_4, %dma_wait3A] : memref<10240x128xf32, #tpu.memory_space<vmem_shared>> -> memref<640x128xf32, #tpu.memory_space<vmem_shared>>
      %dma_wait3A_47 = arith.constant 0 : i32
      %dma_wait3A_48 = tpu.memref_slice %arg5[%mul3A_2, %dma_wait3A_47] : memref<10240x128xf32, #tpu.memory_space<hbm>> -> memref<640x128xf32, #tpu.memory_space<hbm>>
      tpu.wait_dma2 semaphore(%run_scoped3A : memref<!tpu.dma_semaphore, #tpu.memory_space<semaphore_mem>>) src(%dma_wait3A_48 : memref<640x128xf32, #tpu.memory_space<hbm>>) dst(%dma_wait3A_46 : memref<640x128xf32, #tpu.memory_space<vmem_shared>>)
      tpu.yield
    }) : () -> ()
    %barrier3A = arith.constant 0 : index
    tpu.barrier barrier_id(%barrier3A)
    %mul3A_5 = arith.constant 80 : i32
    %mul3A_6 = arith.muli %add3A, %mul3A_5 : i32
    %add3A_7 = arith.constant 0 : i32
    %add3A_8 = arith.addi %mul3A_6, %add3A_7 : i32
    "tpu.region"() ({
      %run_scoped3A = tpu.sem_alloc : memref<!tpu.dma_semaphore, #tpu.memory_space<semaphore_mem>>
      %dma_start3A_42 = arith.constant 0 : i32
      %dma_start3A_43 = tpu.memref_slice %arg3[%add3A_8, %dma_start3A_42] : memref<2560x128xi32, #tpu.memory_space<hbm>> -> memref<40x128xi32, #tpu.memory_space<hbm>>
      %dma_start3A_44 = arith.constant 0 : i32
      %dma_start3A_45 = tpu.memref_slice %arg3[%add3A_8, %dma_start3A_44] : memref<2560x128xi32, #tpu.memory_space<hbm>> -> memref<40x128xi32, #tpu.memory_space<hbm>>
      tpu.enqueue_dma source(%dma_start3A_45 : memref<40x128xi32, #tpu.memory_space<hbm>>) target(%arg7 : memref<40x128xi32, #tpu.memory_space<vmem>>) target_semaphore(%run_scoped3A : memref<!tpu.dma_semaphore, #tpu.memory_space<semaphore_mem>>)
      %dma_wait3A = arith.constant 0 : i32
      %dma_wait3A_46 = tpu.memref_slice %arg3[%add3A_8, %dma_wait3A] : memref<2560x128xi32, #tpu.memory_space<hbm>> -> memref<40x128xi32, #tpu.memory_space<hbm>>
      %dma_wait3A_47 = arith.constant 0 : i32
      %dma_wait3A_48 = tpu.memref_slice %arg3[%add3A_8, %dma_wait3A_47] : memref<2560x128xi32, #tpu.memory_space<hbm>> -> memref<40x128xi32, #tpu.memory_space<hbm>>
      tpu.wait_dma2 semaphore(%run_scoped3A : memref<!tpu.dma_semaphore, #tpu.memory_space<semaphore_mem>>) src(%dma_wait3A_48 : memref<40x128xi32, #tpu.memory_space<hbm>>) dst(%arg7 : memref<40x128xi32, #tpu.memory_space<vmem>>)
      tpu.yield
    }) : () -> ()
    "tpu.region"() ({
      %run_scoped3A = tpu.sem_alloc : memref<!tpu.dma_semaphore, #tpu.memory_space<semaphore_mem>>
      %dma_start3A_42 = arith.constant 0 : i32
      %dma_start3A_43 = tpu.memref_slice %arg4[%add3A_8, %dma_start3A_42] : memref<2560x128xi32, #tpu.memory_space<hbm>> -> memref<40x128xi32, #tpu.memory_space<hbm>>
      %dma_start3A_44 = arith.constant 0 : i32
      %dma_start3A_45 = tpu.memref_slice %arg4[%add3A_8, %dma_start3A_44] : memref<2560x128xi32, #tpu.memory_space<hbm>> -> memref<40x128xi32, #tpu.memory_space<hbm>>
      tpu.enqueue_dma source(%dma_start3A_45 : memref<40x128xi32, #tpu.memory_space<hbm>>) target(%arg8 : memref<40x128xi32, #tpu.memory_space<vmem>>) target_semaphore(%run_scoped3A : memref<!tpu.dma_semaphore, #tpu.memory_space<semaphore_mem>>)
      %dma_wait3A = arith.constant 0 : i32
      %dma_wait3A_46 = tpu.memref_slice %arg4[%add3A_8, %dma_wait3A] : memref<2560x128xi32, #tpu.memory_space<hbm>> -> memref<40x128xi32, #tpu.memory_space<hbm>>
      %dma_wait3A_47 = arith.constant 0 : i32
      %dma_wait3A_48 = tpu.memref_slice %arg4[%add3A_8, %dma_wait3A_47] : memref<2560x128xi32, #tpu.memory_space<hbm>> -> memref<40x128xi32, #tpu.memory_space<hbm>>
      tpu.wait_dma2 semaphore(%run_scoped3A : memref<!tpu.dma_semaphore, #tpu.memory_space<semaphore_mem>>) src(%dma_wait3A_48 : memref<40x128xi32, #tpu.memory_space<hbm>>) dst(%arg8 : memref<40x128xi32, #tpu.memory_space<vmem>>)
      tpu.yield
    }) : () -> ()
    %dma_start3A = arith.constant 0 : i32
    %dma_start3A_9 = arith.constant 0 : i32
    %dma_start3A_10 = tpu.memref_slice %arg7[%dma_start3A, %dma_start3A_9] : memref<40x128xi32, #tpu.memory_space<vmem>> -> memref<1x128xi32, #tpu.memory_space<vmem>>
    %dma_start3A_11 = tpu.memref_squeeze %dma_start3A_10 : memref<1x128xi32, #tpu.memory_space<vmem>> -> memref<128xi32, #tpu.memory_space<vmem>>
    %dma_start3A_12 = arith.constant 0 : i32
    %dma_start3A_13 = arith.constant 0 : i32
    %dma_start3A_14 = tpu.memref_slice %arg2[%dma_start3A_12, %dma_start3A_13] : memref<10240x128xf32, #tpu.memory_space<hbm>> -> memref<10240x128xf32, #tpu.memory_space<hbm>>
    tpu.enqueue_indirect_dma source(%dma_start3A_14 : memref<10240x128xf32, #tpu.memory_space<hbm>>) target(%arg9 : memref<128x128xf32, #tpu.memory_space<vmem>>) offsets(%dma_start3A_11 : memref<128xi32, #tpu.memory_space<vmem>>) semaphore(%arg12 : memref<!tpu.dma_semaphore, #tpu.memory_space<semaphore_mem>>)
    %scan3A = arith.constant 0 : i32
    %scan3A_15 = arith.constant 0 : i32
    %scan3A_16 = arith.constant 40 : i32
    %scan3A_17 = arith.addi %scan3A_15, %scan3A_16 : i32
    %scan3A_18 = arith.constant 1 : i32
    scf.for %scan3A_42 = %scan3A_15 to %scan3A_17 step %scan3A_18  : i32 {
      %jit3A = arith.constant 2 : i32
      %eq3A = arith.constant 0 : i32
      %eq3A_43 = arith.cmpi eq, %jit3A, %eq3A : i32
      %jit3A_44 = arith.constant 1 : i32
      %select_n3A = arith.select %eq3A_43, %jit3A_44, %jit3A : i32
      %rem3A = arith.remsi %scan3A_42, %select_n3A : i32
      %ne3A = arith.constant 0 : i32
      %ne3A_45 = arith.cmpi ne, %rem3A, %ne3A : i32
      %lt3A = arith.constant 0 : i32
      %lt3A_46 = arith.cmpi slt, %rem3A, %lt3A : i32
      %lt3A_47 = arith.constant 0 : i32
      %lt3A_48 = arith.cmpi slt, %select_n3A, %lt3A_47 : i32
      %ne3A_49 = arith.xori %lt3A_46, %lt3A_48 : i1
      %and3A = arith.andi %ne3A_49, %ne3A_45 : i1
      %add3A_50 = arith.addi %rem3A, %select_n3A : i32
      %select_n3A_51 = arith.select %and3A, %add3A_50, %rem3A : i32
      %eq3A_52 = arith.constant 0 : i32
      %eq3A_53 = arith.cmpi eq, %select_n3A_51, %eq3A_52 : i32
      %convert_element_type3A = arith.extui %eq3A_53 : i1 to i32
      %cond3A = arith.constant 0 : i32
      %cond3A_54 = arith.cmpi ne, %convert_element_type3A, %cond3A : i32
      scf.if %cond3A_54 {
        %add3A_59 = arith.constant 1 : i32
        %add3A_60 = arith.addi %scan3A_42, %add3A_59 : i32
        %lt3A_61 = arith.constant 40 : i32
        %lt3A_62 = arith.cmpi slt, %add3A_60, %lt3A_61 : i32
        %convert_element_type3A_63 = arith.extui %lt3A_62 : i1 to i32
        %cond3A_64 = arith.constant 0 : i32
        %cond3A_65 = arith.cmpi ne, %convert_element_type3A_63, %cond3A_64 : i32
        scf.if %cond3A_65 {
          %add3A_71 = arith.constant 1 : i32
          %add3A_72 = arith.addi %scan3A_42, %add3A_71 : i32
          %dma_start3A_73 = arith.constant 0 : i32
          %dma_start3A_74 = tpu.memref_slice %arg7[%add3A_72, %dma_start3A_73] : memref<40x128xi32, #tpu.memory_space<vmem>> -> memref<1x128xi32, #tpu.memory_space<vmem>>
          %dma_start3A_75 = tpu.memref_squeeze %dma_start3A_74 : memref<1x128xi32, #tpu.memory_space<vmem>> -> memref<128xi32, #tpu.memory_space<vmem>>
          %dma_start3A_76 = arith.constant 0 : i32
          %dma_start3A_77 = arith.constant 0 : i32
          %dma_start3A_78 = tpu.memref_slice %arg2[%dma_start3A_76, %dma_start3A_77] : memref<10240x128xf32, #tpu.memory_space<hbm>> -> memref<10240x128xf32, #tpu.memory_space<hbm>>
          tpu.enqueue_indirect_dma source(%dma_start3A_78 : memref<10240x128xf32, #tpu.memory_space<hbm>>) target(%arg10 : memref<128x128xf32, #tpu.memory_space<vmem>>) offsets(%dma_start3A_75 : memref<128xi32, #tpu.memory_space<vmem>>) semaphore(%arg13 : memref<!tpu.dma_semaphore, #tpu.memory_space<semaphore_mem>>)
        } else {
        }
        %dma_wait3A = arith.constant 0 : i32
        %dma_wait3A_66 = tpu.memref_slice %arg7[%scan3A_42, %dma_wait3A] : memref<40x128xi32, #tpu.memory_space<vmem>> -> memref<1x128xi32, #tpu.memory_space<vmem>>
        %dma_wait3A_67 = tpu.memref_squeeze %dma_wait3A_66 : memref<1x128xi32, #tpu.memory_space<vmem>> -> memref<128xi32, #tpu.memory_space<vmem>>
        %dma_wait3A_68 = arith.constant 0 : i32
        %dma_wait3A_69 = arith.constant 0 : i32
        %dma_wait3A_70 = tpu.memref_slice %arg2[%dma_wait3A_68, %dma_wait3A_69] : memref<10240x128xf32, #tpu.memory_space<hbm>> -> memref<10240x128xf32, #tpu.memory_space<hbm>>
        tpu.wait_indirect_dma semaphore(%arg12 : memref<!tpu.dma_semaphore, #tpu.memory_space<semaphore_mem>>) src(%dma_wait3A_70 : memref<10240x128xf32, #tpu.memory_space<hbm>>) dst(%arg9 : memref<128x128xf32, #tpu.memory_space<vmem>>)
        "tpu.region"() ({
          %run_scoped3A = tpu.sem_alloc : memref<!tpu.dma_semaphore, #tpu.memory_space<semaphore_mem>>
          %dma_start3A_71 = arith.constant 0 : i32
          %dma_start3A_72 = tpu.memref_slice %arg8[%scan3A_42, %dma_start3A_71] : memref<40x128xi32, #tpu.memory_space<vmem>> -> memref<1x128xi32, #tpu.memory_space<vmem>>
          %dma_start3A_73 = tpu.memref_squeeze %dma_start3A_72 : memref<1x128xi32, #tpu.memory_space<vmem>> -> memref<128xi32, #tpu.memory_space<vmem>>
          %dma_start3A_74 = arith.constant 0 : i32
          %dma_start3A_75 = arith.constant 0 : i32
          %dma_start3A_76 = tpu.memref_slice %arg11[%dma_start3A_74, %dma_start3A_75] : memref<10240x128xf32, #tpu.memory_space<vmem_shared>> -> memref<10240x128xf32, #tpu.memory_space<vmem_shared>>
          tpu.enqueue_indirect_dma source(%arg9 : memref<128x128xf32, #tpu.memory_space<vmem>>) target(%dma_start3A_76 : memref<10240x128xf32, #tpu.memory_space<vmem_shared>>) offsets(%dma_start3A_73 : memref<128xi32, #tpu.memory_space<vmem>>) semaphore(%run_scoped3A : memref<!tpu.dma_semaphore, #tpu.memory_space<semaphore_mem>>) {add = true}
          %dma_wait3A_77 = arith.constant 0 : i32
          %dma_wait3A_78 = tpu.memref_slice %arg8[%scan3A_42, %dma_wait3A_77] : memref<40x128xi32, #tpu.memory_space<vmem>> -> memref<1x128xi32, #tpu.memory_space<vmem>>
          %dma_wait3A_79 = tpu.memref_squeeze %dma_wait3A_78 : memref<1x128xi32, #tpu.memory_space<vmem>> -> memref<128xi32, #tpu.memory_space<vmem>>
          %dma_wait3A_80 = arith.constant 0 : i32
          %dma_wait3A_81 = arith.constant 0 : i32
          %dma_wait3A_82 = tpu.memref_slice %arg11[%dma_wait3A_80, %dma_wait3A_81] : memref<10240x128xf32, #tpu.memory_space<vmem_shared>> -> memref<10240x128xf32, #tpu.memory_space<vmem_shared>>
          tpu.wait_indirect_dma semaphore(%run_scoped3A : memref<!tpu.dma_semaphore, #tpu.memory_space<semaphore_mem>>) src(%arg9 : memref<128x128xf32, #tpu.memory_space<vmem>>) dst(%dma_wait3A_82 : memref<10240x128xf32, #tpu.memory_space<vmem_shared>>)
          tpu.yield
        }) : () -> ()
      } else {
      }
      %not3A = arith.constant true
      %not3A_55 = arith.xori %eq3A_53, %not3A : i1
      %convert_element_type3A_56 = arith.extui %not3A_55 : i1 to i32
      %cond3A_57 = arith.constant 0 : i32
      %cond3A_58 = arith.cmpi ne, %convert_element_type3A_56, %cond3A_57 : i32
      scf.if %cond3A_58 {
        %add3A_59 = arith.constant 1 : i32
        %add3A_60 = arith.addi %scan3A_42, %add3A_59 : i32
        %lt3A_61 = arith.constant 40 : i32
        %lt3A_62 = arith.cmpi slt, %add3A_60, %lt3A_61 : i32
        %convert_element_type3A_63 = arith.extui %lt3A_62 : i1 to i32
        %cond3A_64 = arith.constant 0 : i32
        %cond3A_65 = arith.cmpi ne, %convert_element_type3A_63, %cond3A_64 : i32
        scf.if %cond3A_65 {
          %add3A_71 = arith.constant 1 : i32
          %add3A_72 = arith.addi %scan3A_42, %add3A_71 : i32
          %dma_start3A_73 = arith.constant 0 : i32
          %dma_start3A_74 = tpu.memref_slice %arg7[%add3A_72, %dma_start3A_73] : memref<40x128xi32, #tpu.memory_space<vmem>> -> memref<1x128xi32, #tpu.memory_space<vmem>>
          %dma_start3A_75 = tpu.memref_squeeze %dma_start3A_74 : memref<1x128xi32, #tpu.memory_space<vmem>> -> memref<128xi32, #tpu.memory_space<vmem>>
          %dma_start3A_76 = arith.constant 0 : i32
          %dma_start3A_77 = arith.constant 0 : i32
          %dma_start3A_78 = tpu.memref_slice %arg2[%dma_start3A_76, %dma_start3A_77] : memref<10240x128xf32, #tpu.memory_space<hbm>> -> memref<10240x128xf32, #tpu.memory_space<hbm>>
          tpu.enqueue_indirect_dma source(%dma_start3A_78 : memref<10240x128xf32, #tpu.memory_space<hbm>>) target(%arg9 : memref<128x128xf32, #tpu.memory_space<vmem>>) offsets(%dma_start3A_75 : memref<128xi32, #tpu.memory_space<vmem>>) semaphore(%arg12 : memref<!tpu.dma_semaphore, #tpu.memory_space<semaphore_mem>>)
        } else {
        }
        %dma_wait3A = arith.constant 0 : i32
        %dma_wait3A_66 = tpu.memref_slice %arg7[%scan3A_42, %dma_wait3A] : memref<40x128xi32, #tpu.memory_space<vmem>> -> memref<1x128xi32, #tpu.memory_space<vmem>>
        %dma_wait3A_67 = tpu.memref_squeeze %dma_wait3A_66 : memref<1x128xi32, #tpu.memory_space<vmem>> -> memref<128xi32, #tpu.memory_space<vmem>>
        %dma_wait3A_68 = arith.constant 0 : i32
        %dma_wait3A_69 = arith.constant 0 : i32
        %dma_wait3A_70 = tpu.memref_slice %arg2[%dma_wait3A_68, %dma_wait3A_69] : memref<10240x128xf32, #tpu.memory_space<hbm>> -> memref<10240x128xf32, #tpu.memory_space<hbm>>
        tpu.wait_indirect_dma semaphore(%arg13 : memref<!tpu.dma_semaphore, #tpu.memory_space<semaphore_mem>>) src(%dma_wait3A_70 : memref<10240x128xf32, #tpu.memory_space<hbm>>) dst(%arg10 : memref<128x128xf32, #tpu.memory_space<vmem>>)
        "tpu.region"() ({
          %run_scoped3A = tpu.sem_alloc : memref<!tpu.dma_semaphore, #tpu.memory_space<semaphore_mem>>
          %dma_start3A_71 = arith.constant 0 : i32
          %dma_start3A_72 = tpu.memref_slice %arg8[%scan3A_42, %dma_start3A_71] : memref<40x128xi32, #tpu.memory_space<vmem>> -> memref<1x128xi32, #tpu.memory_space<vmem>>
          %dma_start3A_73 = tpu.memref_squeeze %dma_start3A_72 : memref<1x128xi32, #tpu.memory_space<vmem>> -> memref<128xi32, #tpu.memory_space<vmem>>
          %dma_start3A_74 = arith.constant 0 : i32
          %dma_start3A_75 = arith.constant 0 : i32
          %dma_start3A_76 = tpu.memref_slice %arg11[%dma_start3A_74, %dma_start3A_75] : memref<10240x128xf32, #tpu.memory_space<vmem_shared>> -> memref<10240x128xf32, #tpu.memory_space<vmem_shared>>
          tpu.enqueue_indirect_dma source(%arg10 : memref<128x128xf32, #tpu.memory_space<vmem>>) target(%dma_start3A_76 : memref<10240x128xf32, #tpu.memory_space<vmem_shared>>) offsets(%dma_start3A_73 : memref<128xi32, #tpu.memory_space<vmem>>) semaphore(%run_scoped3A : memref<!tpu.dma_semaphore, #tpu.memory_space<semaphore_mem>>) {add = true}
          %dma_wait3A_77 = arith.constant 0 : i32
          %dma_wait3A_78 = tpu.memref_slice %arg8[%scan3A_42, %dma_wait3A_77] : memref<40x128xi32, #tpu.memory_space<vmem>> -> memref<1x128xi32, #tpu.memory_space<vmem>>
          %dma_wait3A_79 = tpu.memref_squeeze %dma_wait3A_78 : memref<1x128xi32, #tpu.memory_space<vmem>> -> memref<128xi32, #tpu.memory_space<vmem>>
          %dma_wait3A_80 = arith.constant 0 : i32
          %dma_wait3A_81 = arith.constant 0 : i32
          %dma_wait3A_82 = tpu.memref_slice %arg11[%dma_wait3A_80, %dma_wait3A_81] : memref<10240x128xf32, #tpu.memory_space<vmem_shared>> -> memref<10240x128xf32, #tpu.memory_space<vmem_shared>>
          tpu.wait_indirect_dma semaphore(%run_scoped3A : memref<!tpu.dma_semaphore, #tpu.memory_space<semaphore_mem>>) src(%arg10 : memref<128x128xf32, #tpu.memory_space<vmem>>) dst(%dma_wait3A_82 : memref<10240x128xf32, #tpu.memory_space<vmem_shared>>)
          tpu.yield
        }) : () -> ()
      } else {
      }
    }
    %scan3A_19 = arith.constant 40 : i32
    %mul3A_20 = arith.constant 80 : i32
    %mul3A_21 = arith.muli %add3A, %mul3A_20 : i32
    %add3A_22 = arith.constant 40 : i32
    %add3A_23 = arith.addi %mul3A_21, %add3A_22 : i32
    "tpu.region"() ({
      %run_scoped3A = tpu.sem_alloc : memref<!tpu.dma_semaphore, #tpu.memory_space<semaphore_mem>>
      %dma_start3A_42 = arith.constant 0 : i32
      %dma_start3A_43 = tpu.memref_slice %arg3[%add3A_23, %dma_start3A_42] : memref<2560x128xi32, #tpu.memory_space<hbm>> -> memref<40x128xi32, #tpu.memory_space<hbm>>
      %dma_start3A_44 = arith.constant 0 : i32
      %dma_start3A_45 = tpu.memref_slice %arg3[%add3A_23, %dma_start3A_44] : memref<2560x128xi32, #tpu.memory_space<hbm>> -> memref<40x128xi32, #tpu.memory_space<hbm>>
      tpu.enqueue_dma source(%dma_start3A_45 : memref<40x128xi32, #tpu.memory_space<hbm>>) target(%arg7 : memref<40x128xi32, #tpu.memory_space<vmem>>) target_semaphore(%run_scoped3A : memref<!tpu.dma_semaphore, #tpu.memory_space<semaphore_mem>>)
      %dma_wait3A = arith.constant 0 : i32
      %dma_wait3A_46 = tpu.memref_slice %arg3[%add3A_23, %dma_wait3A] : memref<2560x128xi32, #tpu.memory_space<hbm>> -> memref<40x128xi32, #tpu.memory_space<hbm>>
      %dma_wait3A_47 = arith.constant 0 : i32
      %dma_wait3A_48 = tpu.memref_slice %arg3[%add3A_23, %dma_wait3A_47] : memref<2560x128xi32, #tpu.memory_space<hbm>> -> memref<40x128xi32, #tpu.memory_space<hbm>>
      tpu.wait_dma2 semaphore(%run_scoped3A : memref<!tpu.dma_semaphore, #tpu.memory_space<semaphore_mem>>) src(%dma_wait3A_48 : memref<40x128xi32, #tpu.memory_space<hbm>>) dst(%arg7 : memref<40x128xi32, #tpu.memory_space<vmem>>)
      tpu.yield
    }) : () -> ()
    "tpu.region"() ({
      %run_scoped3A = tpu.sem_alloc : memref<!tpu.dma_semaphore, #tpu.memory_space<semaphore_mem>>
      %dma_start3A_42 = arith.constant 0 : i32
      %dma_start3A_43 = tpu.memref_slice %arg4[%add3A_23, %dma_start3A_42] : memref<2560x128xi32, #tpu.memory_space<hbm>> -> memref<40x128xi32, #tpu.memory_space<hbm>>
      %dma_start3A_44 = arith.constant 0 : i32
      %dma_start3A_45 = tpu.memref_slice %arg4[%add3A_23, %dma_start3A_44] : memref<2560x128xi32, #tpu.memory_space<hbm>> -> memref<40x128xi32, #tpu.memory_space<hbm>>
      tpu.enqueue_dma source(%dma_start3A_45 : memref<40x128xi32, #tpu.memory_space<hbm>>) target(%arg8 : memref<40x128xi32, #tpu.memory_space<vmem>>) target_semaphore(%run_scoped3A : memref<!tpu.dma_semaphore, #tpu.memory_space<semaphore_mem>>)
      %dma_wait3A = arith.constant 0 : i32
      %dma_wait3A_46 = tpu.memref_slice %arg4[%add3A_23, %dma_wait3A] : memref<2560x128xi32, #tpu.memory_space<hbm>> -> memref<40x128xi32, #tpu.memory_space<hbm>>
      %dma_wait3A_47 = arith.constant 0 : i32
      %dma_wait3A_48 = tpu.memref_slice %arg4[%add3A_23, %dma_wait3A_47] : memref<2560x128xi32, #tpu.memory_space<hbm>> -> memref<40x128xi32, #tpu.memory_space<hbm>>
      tpu.wait_dma2 semaphore(%run_scoped3A : memref<!tpu.dma_semaphore, #tpu.memory_space<semaphore_mem>>) src(%dma_wait3A_48 : memref<40x128xi32, #tpu.memory_space<hbm>>) dst(%arg8 : memref<40x128xi32, #tpu.memory_space<vmem>>)
      tpu.yield
    }) : () -> ()
    %dma_start3A_24 = arith.constant 0 : i32
    %dma_start3A_25 = arith.constant 0 : i32
    %dma_start3A_26 = tpu.memref_slice %arg7[%dma_start3A_24, %dma_start3A_25] : memref<40x128xi32, #tpu.memory_space<vmem>> -> memref<1x128xi32, #tpu.memory_space<vmem>>
    %dma_start3A_27 = tpu.memref_squeeze %dma_start3A_26 : memref<1x128xi32, #tpu.memory_space<vmem>> -> memref<128xi32, #tpu.memory_space<vmem>>
    %dma_start3A_28 = arith.constant 0 : i32
    %dma_start3A_29 = arith.constant 0 : i32
    %dma_start3A_30 = tpu.memref_slice %arg2[%dma_start3A_28, %dma_start3A_29] : memref<10240x128xf32, #tpu.memory_space<hbm>> -> memref<10240x128xf32, #tpu.memory_space<hbm>>
    tpu.enqueue_indirect_dma source(%dma_start3A_30 : memref<10240x128xf32, #tpu.memory_space<hbm>>) target(%arg9 : memref<128x128xf32, #tpu.memory_space<vmem>>) offsets(%dma_start3A_27 : memref<128xi32, #tpu.memory_space<vmem>>) semaphore(%arg12 : memref<!tpu.dma_semaphore, #tpu.memory_space<semaphore_mem>>)
    %scan3A_31 = arith.constant 0 : i32
    %scan3A_32 = arith.constant 0 : i32
    %scan3A_33 = arith.constant 40 : i32
    %scan3A_34 = arith.addi %scan3A_32, %scan3A_33 : i32
    %scan3A_35 = arith.constant 1 : i32
    scf.for %scan3A_42 = %scan3A_32 to %scan3A_34 step %scan3A_35  : i32 {
      %jit3A = arith.constant 2 : i32
      %eq3A = arith.constant 0 : i32
      %eq3A_43 = arith.cmpi eq, %jit3A, %eq3A : i32
      %jit3A_44 = arith.constant 1 : i32
      %select_n3A = arith.select %eq3A_43, %jit3A_44, %jit3A : i32
      %rem3A = arith.remsi %scan3A_42, %select_n3A : i32
      %ne3A = arith.constant 0 : i32
      %ne3A_45 = arith.cmpi ne, %rem3A, %ne3A : i32
      %lt3A = arith.constant 0 : i32
      %lt3A_46 = arith.cmpi slt, %rem3A, %lt3A : i32
      %lt3A_47 = arith.constant 0 : i32
      %lt3A_48 = arith.cmpi slt, %select_n3A, %lt3A_47 : i32
      %ne3A_49 = arith.xori %lt3A_46, %lt3A_48 : i1
      %and3A = arith.andi %ne3A_49, %ne3A_45 : i1
      %add3A_50 = arith.addi %rem3A, %select_n3A : i32
      %select_n3A_51 = arith.select %and3A, %add3A_50, %rem3A : i32
      %eq3A_52 = arith.constant 0 : i32
      %eq3A_53 = arith.cmpi eq, %select_n3A_51, %eq3A_52 : i32
      %convert_element_type3A = arith.extui %eq3A_53 : i1 to i32
      %cond3A = arith.constant 0 : i32
      %cond3A_54 = arith.cmpi ne, %convert_element_type3A, %cond3A : i32
      scf.if %cond3A_54 {
        %add3A_59 = arith.constant 1 : i32
        %add3A_60 = arith.addi %scan3A_42, %add3A_59 : i32
        %lt3A_61 = arith.constant 40 : i32
        %lt3A_62 = arith.cmpi slt, %add3A_60, %lt3A_61 : i32
        %convert_element_type3A_63 = arith.extui %lt3A_62 : i1 to i32
        %cond3A_64 = arith.constant 0 : i32
        %cond3A_65 = arith.cmpi ne, %convert_element_type3A_63, %cond3A_64 : i32
        scf.if %cond3A_65 {
          %add3A_71 = arith.constant 1 : i32
          %add3A_72 = arith.addi %scan3A_42, %add3A_71 : i32
          %dma_start3A_73 = arith.constant 0 : i32
          %dma_start3A_74 = tpu.memref_slice %arg7[%add3A_72, %dma_start3A_73] : memref<40x128xi32, #tpu.memory_space<vmem>> -> memref<1x128xi32, #tpu.memory_space<vmem>>
          %dma_start3A_75 = tpu.memref_squeeze %dma_start3A_74 : memref<1x128xi32, #tpu.memory_space<vmem>> -> memref<128xi32, #tpu.memory_space<vmem>>
          %dma_start3A_76 = arith.constant 0 : i32
          %dma_start3A_77 = arith.constant 0 : i32
          %dma_start3A_78 = tpu.memref_slice %arg2[%dma_start3A_76, %dma_start3A_77] : memref<10240x128xf32, #tpu.memory_space<hbm>> -> memref<10240x128xf32, #tpu.memory_space<hbm>>
          tpu.enqueue_indirect_dma source(%dma_start3A_78 : memref<10240x128xf32, #tpu.memory_space<hbm>>) target(%arg10 : memref<128x128xf32, #tpu.memory_space<vmem>>) offsets(%dma_start3A_75 : memref<128xi32, #tpu.memory_space<vmem>>) semaphore(%arg13 : memref<!tpu.dma_semaphore, #tpu.memory_space<semaphore_mem>>)
        } else {
        }
        %dma_wait3A = arith.constant 0 : i32
        %dma_wait3A_66 = tpu.memref_slice %arg7[%scan3A_42, %dma_wait3A] : memref<40x128xi32, #tpu.memory_space<vmem>> -> memref<1x128xi32, #tpu.memory_space<vmem>>
        %dma_wait3A_67 = tpu.memref_squeeze %dma_wait3A_66 : memref<1x128xi32, #tpu.memory_space<vmem>> -> memref<128xi32, #tpu.memory_space<vmem>>
        %dma_wait3A_68 = arith.constant 0 : i32
        %dma_wait3A_69 = arith.constant 0 : i32
        %dma_wait3A_70 = tpu.memref_slice %arg2[%dma_wait3A_68, %dma_wait3A_69] : memref<10240x128xf32, #tpu.memory_space<hbm>> -> memref<10240x128xf32, #tpu.memory_space<hbm>>
        tpu.wait_indirect_dma semaphore(%arg12 : memref<!tpu.dma_semaphore, #tpu.memory_space<semaphore_mem>>) src(%dma_wait3A_70 : memref<10240x128xf32, #tpu.memory_space<hbm>>) dst(%arg9 : memref<128x128xf32, #tpu.memory_space<vmem>>)
        "tpu.region"() ({
          %run_scoped3A = tpu.sem_alloc : memref<!tpu.dma_semaphore, #tpu.memory_space<semaphore_mem>>
          %dma_start3A_71 = arith.constant 0 : i32
          %dma_start3A_72 = tpu.memref_slice %arg8[%scan3A_42, %dma_start3A_71] : memref<40x128xi32, #tpu.memory_space<vmem>> -> memref<1x128xi32, #tpu.memory_space<vmem>>
          %dma_start3A_73 = tpu.memref_squeeze %dma_start3A_72 : memref<1x128xi32, #tpu.memory_space<vmem>> -> memref<128xi32, #tpu.memory_space<vmem>>
          %dma_start3A_74 = arith.constant 0 : i32
          %dma_start3A_75 = arith.constant 0 : i32
          %dma_start3A_76 = tpu.memref_slice %arg11[%dma_start3A_74, %dma_start3A_75] : memref<10240x128xf32, #tpu.memory_space<vmem_shared>> -> memref<10240x128xf32, #tpu.memory_space<vmem_shared>>
          tpu.enqueue_indirect_dma source(%arg9 : memref<128x128xf32, #tpu.memory_space<vmem>>) target(%dma_start3A_76 : memref<10240x128xf32, #tpu.memory_space<vmem_shared>>) offsets(%dma_start3A_73 : memref<128xi32, #tpu.memory_space<vmem>>) semaphore(%run_scoped3A : memref<!tpu.dma_semaphore, #tpu.memory_space<semaphore_mem>>) {add = true}
          %dma_wait3A_77 = arith.constant 0 : i32
          %dma_wait3A_78 = tpu.memref_slice %arg8[%scan3A_42, %dma_wait3A_77] : memref<40x128xi32, #tpu.memory_space<vmem>> -> memref<1x128xi32, #tpu.memory_space<vmem>>
          %dma_wait3A_79 = tpu.memref_squeeze %dma_wait3A_78 : memref<1x128xi32, #tpu.memory_space<vmem>> -> memref<128xi32, #tpu.memory_space<vmem>>
          %dma_wait3A_80 = arith.constant 0 : i32
          %dma_wait3A_81 = arith.constant 0 : i32
          %dma_wait3A_82 = tpu.memref_slice %arg11[%dma_wait3A_80, %dma_wait3A_81] : memref<10240x128xf32, #tpu.memory_space<vmem_shared>> -> memref<10240x128xf32, #tpu.memory_space<vmem_shared>>
          tpu.wait_indirect_dma semaphore(%run_scoped3A : memref<!tpu.dma_semaphore, #tpu.memory_space<semaphore_mem>>) src(%arg9 : memref<128x128xf32, #tpu.memory_space<vmem>>) dst(%dma_wait3A_82 : memref<10240x128xf32, #tpu.memory_space<vmem_shared>>)
          tpu.yield
        }) : () -> ()
      } else {
      }
      %not3A = arith.constant true
      %not3A_55 = arith.xori %eq3A_53, %not3A : i1
      %convert_element_type3A_56 = arith.extui %not3A_55 : i1 to i32
      %cond3A_57 = arith.constant 0 : i32
      %cond3A_58 = arith.cmpi ne, %convert_element_type3A_56, %cond3A_57 : i32
      scf.if %cond3A_58 {
        %add3A_59 = arith.constant 1 : i32
        %add3A_60 = arith.addi %scan3A_42, %add3A_59 : i32
        %lt3A_61 = arith.constant 40 : i32
        %lt3A_62 = arith.cmpi slt, %add3A_60, %lt3A_61 : i32
        %convert_element_type3A_63 = arith.extui %lt3A_62 : i1 to i32
        %cond3A_64 = arith.constant 0 : i32
        %cond3A_65 = arith.cmpi ne, %convert_element_type3A_63, %cond3A_64 : i32
        scf.if %cond3A_65 {
          %add3A_71 = arith.constant 1 : i32
          %add3A_72 = arith.addi %scan3A_42, %add3A_71 : i32
          %dma_start3A_73 = arith.constant 0 : i32
          %dma_start3A_74 = tpu.memref_slice %arg7[%add3A_72, %dma_start3A_73] : memref<40x128xi32, #tpu.memory_space<vmem>> -> memref<1x128xi32, #tpu.memory_space<vmem>>
          %dma_start3A_75 = tpu.memref_squeeze %dma_start3A_74 : memref<1x128xi32, #tpu.memory_space<vmem>> -> memref<128xi32, #tpu.memory_space<vmem>>
          %dma_start3A_76 = arith.constant 0 : i32
          %dma_start3A_77 = arith.constant 0 : i32
          %dma_start3A_78 = tpu.memref_slice %arg2[%dma_start3A_76, %dma_start3A_77] : memref<10240x128xf32, #tpu.memory_space<hbm>> -> memref<10240x128xf32, #tpu.memory_space<hbm>>
          tpu.enqueue_indirect_dma source(%dma_start3A_78 : memref<10240x128xf32, #tpu.memory_space<hbm>>) target(%arg9 : memref<128x128xf32, #tpu.memory_space<vmem>>) offsets(%dma_start3A_75 : memref<128xi32, #tpu.memory_space<vmem>>) semaphore(%arg12 : memref<!tpu.dma_semaphore, #tpu.memory_space<semaphore_mem>>)
        } else {
        }
        %dma_wait3A = arith.constant 0 : i32
        %dma_wait3A_66 = tpu.memref_slice %arg7[%scan3A_42, %dma_wait3A] : memref<40x128xi32, #tpu.memory_space<vmem>> -> memref<1x128xi32, #tpu.memory_space<vmem>>
        %dma_wait3A_67 = tpu.memref_squeeze %dma_wait3A_66 : memref<1x128xi32, #tpu.memory_space<vmem>> -> memref<128xi32, #tpu.memory_space<vmem>>
        %dma_wait3A_68 = arith.constant 0 : i32
        %dma_wait3A_69 = arith.constant 0 : i32
        %dma_wait3A_70 = tpu.memref_slice %arg2[%dma_wait3A_68, %dma_wait3A_69] : memref<10240x128xf32, #tpu.memory_space<hbm>> -> memref<10240x128xf32, #tpu.memory_space<hbm>>
        tpu.wait_indirect_dma semaphore(%arg13 : memref<!tpu.dma_semaphore, #tpu.memory_space<semaphore_mem>>) src(%dma_wait3A_70 : memref<10240x128xf32, #tpu.memory_space<hbm>>) dst(%arg10 : memref<128x128xf32, #tpu.memory_space<vmem>>)
        "tpu.region"() ({
          %run_scoped3A = tpu.sem_alloc : memref<!tpu.dma_semaphore, #tpu.memory_space<semaphore_mem>>
          %dma_start3A_71 = arith.constant 0 : i32
          %dma_start3A_72 = tpu.memref_slice %arg8[%scan3A_42, %dma_start3A_71] : memref<40x128xi32, #tpu.memory_space<vmem>> -> memref<1x128xi32, #tpu.memory_space<vmem>>
          %dma_start3A_73 = tpu.memref_squeeze %dma_start3A_72 : memref<1x128xi32, #tpu.memory_space<vmem>> -> memref<128xi32, #tpu.memory_space<vmem>>
          %dma_start3A_74 = arith.constant 0 : i32
          %dma_start3A_75 = arith.constant 0 : i32
          %dma_start3A_76 = tpu.memref_slice %arg11[%dma_start3A_74, %dma_start3A_75] : memref<10240x128xf32, #tpu.memory_space<vmem_shared>> -> memref<10240x128xf32, #tpu.memory_space<vmem_shared>>
          tpu.enqueue_indirect_dma source(%arg10 : memref<128x128xf32, #tpu.memory_space<vmem>>) target(%dma_start3A_76 : memref<10240x128xf32, #tpu.memory_space<vmem_shared>>) offsets(%dma_start3A_73 : memref<128xi32, #tpu.memory_space<vmem>>) semaphore(%run_scoped3A : memref<!tpu.dma_semaphore, #tpu.memory_space<semaphore_mem>>) {add = true}
          %dma_wait3A_77 = arith.constant 0 : i32
          %dma_wait3A_78 = tpu.memref_slice %arg8[%scan3A_42, %dma_wait3A_77] : memref<40x128xi32, #tpu.memory_space<vmem>> -> memref<1x128xi32, #tpu.memory_space<vmem>>
          %dma_wait3A_79 = tpu.memref_squeeze %dma_wait3A_78 : memref<1x128xi32, #tpu.memory_space<vmem>> -> memref<128xi32, #tpu.memory_space<vmem>>
          %dma_wait3A_80 = arith.constant 0 : i32
          %dma_wait3A_81 = arith.constant 0 : i32
          %dma_wait3A_82 = tpu.memref_slice %arg11[%dma_wait3A_80, %dma_wait3A_81] : memref<10240x128xf32, #tpu.memory_space<vmem_shared>> -> memref<10240x128xf32, #tpu.memory_space<vmem_shared>>
          tpu.wait_indirect_dma semaphore(%run_scoped3A : memref<!tpu.dma_semaphore, #tpu.memory_space<semaphore_mem>>) src(%arg10 : memref<128x128xf32, #tpu.memory_space<vmem>>) dst(%dma_wait3A_82 : memref<10240x128xf32, #tpu.memory_space<vmem_shared>>)
          tpu.yield
        }) : () -> ()
      } else {
      }
    }
    %scan3A_36 = arith.constant 40 : i32
    %barrier3A_37 = arith.constant 0 : index
    tpu.barrier barrier_id(%barrier3A_37)
    %mul3A_38 = arith.constant 640 : i32
    %mul3A_39 = arith.muli %arg1, %mul3A_38 : i32
    %mul3A_40 = arith.constant 640 : i32
    %mul3A_41 = arith.muli %arg1, %mul3A_40 : i32
    "tpu.region"() ({
      %run_scoped3A = tpu.sem_alloc : memref<!tpu.dma_semaphore, #tpu.memory_space<semaphore_mem>>
      %dma_start3A_42 = arith.constant 0 : i32
      %dma_start3A_43 = tpu.memref_slice %arg6[%arg0, %mul3A_41, %dma_start3A_42] : memref<2x10240x128xf32, #tpu.memory_space<hbm>> -> memref<1x640x128xf32, #tpu.memory_space<hbm>>
      %dma_start3A_44 = tpu.memref_squeeze %dma_start3A_43 : memref<1x640x128xf32, #tpu.memory_space<hbm>> -> memref<640x128xf32, #tpu.memory_space<hbm>>
      %dma_start3A_45 = arith.constant 0 : i32
      %dma_start3A_46 = tpu.memref_slice %arg11[%mul3A_39, %dma_start3A_45] : memref<10240x128xf32, #tpu.memory_space<vmem_shared>> -> memref<640x128xf32, #tpu.memory_space<vmem_shared>>
      tpu.enqueue_dma source(%dma_start3A_46 : memref<640x128xf32, #tpu.memory_space<vmem_shared>>) target(%dma_start3A_44 : memref<640x128xf32, #tpu.memory_space<hbm>>) target_semaphore(%run_scoped3A : memref<!tpu.dma_semaphore, #tpu.memory_space<semaphore_mem>>)
      %dma_wait3A = arith.constant 0 : i32
      %dma_wait3A_47 = tpu.memref_slice %arg6[%arg0, %mul3A_41, %dma_wait3A] : memref<2x10240x128xf32, #tpu.memory_space<hbm>> -> memref<1x640x128xf32, #tpu.memory_space<hbm>>
      %dma_wait3A_48 = tpu.memref_squeeze %dma_wait3A_47 : memref<1x640x128xf32, #tpu.memory_space<hbm>> -> memref<640x128xf32, #tpu.memory_space<hbm>>
      %dma_wait3A_49 = arith.constant 0 : i32
      %dma_wait3A_50 = tpu.memref_slice %arg11[%mul3A_39, %dma_wait3A_49] : memref<10240x128xf32, #tpu.memory_space<vmem_shared>> -> memref<640x128xf32, #tpu.memory_space<vmem_shared>>
      tpu.wait_dma2 semaphore(%run_scoped3A : memref<!tpu.dma_semaphore, #tpu.memory_space<semaphore_mem>>) src(%dma_wait3A_50 : memref<640x128xf32, #tpu.memory_space<vmem_shared>>) dst(%dma_wait3A_48 : memref<640x128xf32, #tpu.memory_space<hbm>>)
      tpu.yield
    }) : () -> ()
    return
  }
}

#map = affine_map<(d0, d1) -> (0, 0)>
#map1 = affine_map<(d0, d1) -> (0, 0, 0)>
module attributes {stable_mosaic.version = 14 : i64} {
  func.func @_edge_pass(%arg0: i32, %arg1: i32, %arg2: memref<10240x128xf32, #tpu.memory_space<hbm>>, %arg3: memref<2560x128xi32, #tpu.memory_space<hbm>>, %arg4: memref<2560x128xi32, #tpu.memory_space<hbm>>, %arg5: memref<10240x128xf32, #tpu.memory_space<hbm>>, %arg6: memref<2x10240x128xf32, #tpu.memory_space<hbm>>, %arg7: memref<40x128xi32, #tpu.memory_space<vmem>>, %arg8: memref<40x128xi32, #tpu.memory_space<vmem>>, %arg9: memref<128x128xf32, #tpu.memory_space<vmem>>, %arg10: memref<128x128xf32, #tpu.memory_space<vmem>>, %arg11: memref<10240x128xf32, #tpu.memory_space<vmem_shared>>, %arg12: memref<!tpu.dma_semaphore, #tpu.memory_space<semaphore_mem>>, %arg13: memref<!tpu.dma_semaphore, #tpu.memory_space<semaphore_mem>>) attributes {dimension_semantics = [#tpu.dimension_semantics<core_parallel>, #tpu.dimension_semantics<subcore_parallel>], iteration_bounds = array<i64: 2, 16>, scalar_prefetch = 0 : i64, scratch_operands = 7 : i64, tpu.core_type = #tpu.core_type<sc_vector_subcore>, window_params = [{transform_indices = #map}, {transform_indices = #map}, {transform_indices = #map}, {transform_indices = #map}, {transform_indices = #map1}]} {
    %mul3A = arith.constant 16 : i32
    %mul3A_0 = arith.muli %arg0, %mul3A : i32
    %add3A = arith.addi %mul3A_0, %arg1 : i32
    %mul3A_1 = arith.constant 640 : i32
    %mul3A_2 = arith.muli %arg1, %mul3A_1 : i32
    %mul3A_3 = arith.constant 640 : i32
    %mul3A_4 = arith.muli %arg1, %mul3A_3 : i32
    "tpu.region"() ({
      %run_scoped3A = tpu.sem_alloc : memref<!tpu.dma_semaphore, #tpu.memory_space<semaphore_mem>>
      %dma_start3A_42 = arith.constant 0 : i32
      %dma_start3A_43 = tpu.memref_slice %arg11[%mul3A_4, %dma_start3A_42] : memref<10240x128xf32, #tpu.memory_space<vmem_shared>> -> memref<640x128xf32, #tpu.memory_space<vmem_shared>>
      %dma_start3A_44 = arith.constant 0 : i32
      %dma_start3A_45 = tpu.memref_slice %arg5[%mul3A_2, %dma_start3A_44] : memref<10240x128xf32, #tpu.memory_space<hbm>> -> memref<640x128xf32, #tpu.memory_space<hbm>>
      tpu.enqueue_dma source(%dma_start3A_45 : memref<640x128xf32, #tpu.memory_space<hbm>>) target(%dma_start3A_43 : memref<640x128xf32, #tpu.memory_space<vmem_shared>>) target_semaphore(%run_scoped3A : memref<!tpu.dma_semaphore, #tpu.memory_space<semaphore_mem>>)
      %dma_wait3A = arith.constant 0 : i32
      %dma_wait3A_46 = tpu.memref_slice %arg11[%mul3A_4, %dma_wait3A] : memref<10240x128xf32, #tpu.memory_space<vmem_shared>> -> memref<640x128xf32, #tpu.memory_space<vmem_shared>>
      %dma_wait3A_47 = arith.constant 0 : i32
      %dma_wait3A_48 = tpu.memref_slice %arg5[%mul3A_2, %dma_wait3A_47] : memref<10240x128xf32, #tpu.memory_space<hbm>> -> memref<640x128xf32, #tpu.memory_space<hbm>>
      tpu.wait_dma2 semaphore(%run_scoped3A : memref<!tpu.dma_semaphore, #tpu.memory_space<semaphore_mem>>) src(%dma_wait3A_48 : memref<640x128xf32, #tpu.memory_space<hbm>>) dst(%dma_wait3A_46 : memref<640x128xf32, #tpu.memory_space<vmem_shared>>)
      tpu.yield
    }) : () -> ()
    %barrier3A = arith.constant 0 : index
    tpu.barrier barrier_id(%barrier3A)
    %mul3A_5 = arith.constant 80 : i32
    %mul3A_6 = arith.muli %add3A, %mul3A_5 : i32
    %add3A_7 = arith.constant 0 : i32
    %add3A_8 = arith.addi %mul3A_6, %add3A_7 : i32
    "tpu.region"() ({
      %run_scoped3A = tpu.sem_alloc : memref<!tpu.dma_semaphore, #tpu.memory_space<semaphore_mem>>
      %dma_start3A_42 = arith.constant 0 : i32
      %dma_start3A_43 = tpu.memref_slice %arg3[%add3A_8, %dma_start3A_42] : memref<2560x128xi32, #tpu.memory_space<hbm>> -> memref<40x128xi32, #tpu.memory_space<hbm>>
      %dma_start3A_44 = arith.constant 0 : i32
      %dma_start3A_45 = tpu.memref_slice %arg3[%add3A_8, %dma_start3A_44] : memref<2560x128xi32, #tpu.memory_space<hbm>> -> memref<40x128xi32, #tpu.memory_space<hbm>>
      tpu.enqueue_dma source(%dma_start3A_45 : memref<40x128xi32, #tpu.memory_space<hbm>>) target(%arg7 : memref<40x128xi32, #tpu.memory_space<vmem>>) target_semaphore(%run_scoped3A : memref<!tpu.dma_semaphore, #tpu.memory_space<semaphore_mem>>)
      %dma_wait3A = arith.constant 0 : i32
      %dma_wait3A_46 = tpu.memref_slice %arg3[%add3A_8, %dma_wait3A] : memref<2560x128xi32, #tpu.memory_space<hbm>> -> memref<40x128xi32, #tpu.memory_space<hbm>>
      %dma_wait3A_47 = arith.constant 0 : i32
      %dma_wait3A_48 = tpu.memref_slice %arg3[%add3A_8, %dma_wait3A_47] : memref<2560x128xi32, #tpu.memory_space<hbm>> -> memref<40x128xi32, #tpu.memory_space<hbm>>
      tpu.wait_dma2 semaphore(%run_scoped3A : memref<!tpu.dma_semaphore, #tpu.memory_space<semaphore_mem>>) src(%dma_wait3A_48 : memref<40x128xi32, #tpu.memory_space<hbm>>) dst(%arg7 : memref<40x128xi32, #tpu.memory_space<vmem>>)
      tpu.yield
    }) : () -> ()
    "tpu.region"() ({
      %run_scoped3A = tpu.sem_alloc : memref<!tpu.dma_semaphore, #tpu.memory_space<semaphore_mem>>
      %dma_start3A_42 = arith.constant 0 : i32
      %dma_start3A_43 = tpu.memref_slice %arg4[%add3A_8, %dma_start3A_42] : memref<2560x128xi32, #tpu.memory_space<hbm>> -> memref<40x128xi32, #tpu.memory_space<hbm>>
      %dma_start3A_44 = arith.constant 0 : i32
      %dma_start3A_45 = tpu.memref_slice %arg4[%add3A_8, %dma_start3A_44] : memref<2560x128xi32, #tpu.memory_space<hbm>> -> memref<40x128xi32, #tpu.memory_space<hbm>>
      tpu.enqueue_dma source(%dma_start3A_45 : memref<40x128xi32, #tpu.memory_space<hbm>>) target(%arg8 : memref<40x128xi32, #tpu.memory_space<vmem>>) target_semaphore(%run_scoped3A : memref<!tpu.dma_semaphore, #tpu.memory_space<semaphore_mem>>)
      %dma_wait3A = arith.constant 0 : i32
      %dma_wait3A_46 = tpu.memref_slice %arg4[%add3A_8, %dma_wait3A] : memref<2560x128xi32, #tpu.memory_space<hbm>> -> memref<40x128xi32, #tpu.memory_space<hbm>>
      %dma_wait3A_47 = arith.constant 0 : i32
      %dma_wait3A_48 = tpu.memref_slice %arg4[%add3A_8, %dma_wait3A_47] : memref<2560x128xi32, #tpu.memory_space<hbm>> -> memref<40x128xi32, #tpu.memory_space<hbm>>
      tpu.wait_dma2 semaphore(%run_scoped3A : memref<!tpu.dma_semaphore, #tpu.memory_space<semaphore_mem>>) src(%dma_wait3A_48 : memref<40x128xi32, #tpu.memory_space<hbm>>) dst(%arg8 : memref<40x128xi32, #tpu.memory_space<vmem>>)
      tpu.yield
    }) : () -> ()
    %dma_start3A = arith.constant 0 : i32
    %dma_start3A_9 = arith.constant 0 : i32
    %dma_start3A_10 = tpu.memref_slice %arg7[%dma_start3A, %dma_start3A_9] : memref<40x128xi32, #tpu.memory_space<vmem>> -> memref<1x128xi32, #tpu.memory_space<vmem>>
    %dma_start3A_11 = tpu.memref_squeeze %dma_start3A_10 : memref<1x128xi32, #tpu.memory_space<vmem>> -> memref<128xi32, #tpu.memory_space<vmem>>
    %dma_start3A_12 = arith.constant 0 : i32
    %dma_start3A_13 = arith.constant 0 : i32
    %dma_start3A_14 = tpu.memref_slice %arg2[%dma_start3A_12, %dma_start3A_13] : memref<10240x128xf32, #tpu.memory_space<hbm>> -> memref<10240x128xf32, #tpu.memory_space<hbm>>
    tpu.enqueue_indirect_dma source(%dma_start3A_14 : memref<10240x128xf32, #tpu.memory_space<hbm>>) target(%arg9 : memref<128x128xf32, #tpu.memory_space<vmem>>) offsets(%dma_start3A_11 : memref<128xi32, #tpu.memory_space<vmem>>) semaphore(%arg12 : memref<!tpu.dma_semaphore, #tpu.memory_space<semaphore_mem>>)
    %scan3A = arith.constant 0 : i32
    %scan3A_15 = arith.constant 0 : i32
    %scan3A_16 = arith.constant 40 : i32
    %scan3A_17 = arith.addi %scan3A_15, %scan3A_16 : i32
    %scan3A_18 = arith.constant 1 : i32
    scf.for %scan3A_42 = %scan3A_15 to %scan3A_17 step %scan3A_18  : i32 {
      %jit3A = arith.constant 2 : i32
      %eq3A = arith.constant 0 : i32
      %eq3A_43 = arith.cmpi eq, %jit3A, %eq3A : i32
      %jit3A_44 = arith.constant 1 : i32
      %select_n3A = arith.select %eq3A_43, %jit3A_44, %jit3A : i32
      %rem3A = arith.remsi %scan3A_42, %select_n3A : i32
      %ne3A = arith.constant 0 : i32
      %ne3A_45 = arith.cmpi ne, %rem3A, %ne3A : i32
      %lt3A = arith.constant 0 : i32
      %lt3A_46 = arith.cmpi slt, %rem3A, %lt3A : i32
      %lt3A_47 = arith.constant 0 : i32
      %lt3A_48 = arith.cmpi slt, %select_n3A, %lt3A_47 : i32
      %ne3A_49 = arith.xori %lt3A_46, %lt3A_48 : i1
      %and3A = arith.andi %ne3A_49, %ne3A_45 : i1
      %add3A_50 = arith.addi %rem3A, %select_n3A : i32
      %select_n3A_51 = arith.select %and3A, %add3A_50, %rem3A : i32
      %eq3A_52 = arith.constant 0 : i32
      %eq3A_53 = arith.cmpi eq, %select_n3A_51, %eq3A_52 : i32
      %convert_element_type3A = arith.extui %eq3A_53 : i1 to i32
      %cond3A = arith.constant 0 : i32
      %cond3A_54 = arith.cmpi ne, %convert_element_type3A, %cond3A : i32
      scf.if %cond3A_54 {
        %add3A_59 = arith.constant 1 : i32
        %add3A_60 = arith.addi %scan3A_42, %add3A_59 : i32
        %lt3A_61 = arith.constant 40 : i32
        %lt3A_62 = arith.cmpi slt, %add3A_60, %lt3A_61 : i32
        %convert_element_type3A_63 = arith.extui %lt3A_62 : i1 to i32
        %cond3A_64 = arith.constant 0 : i32
        %cond3A_65 = arith.cmpi ne, %convert_element_type3A_63, %cond3A_64 : i32
        scf.if %cond3A_65 {
          %add3A_71 = arith.constant 1 : i32
          %add3A_72 = arith.addi %scan3A_42, %add3A_71 : i32
          %dma_start3A_73 = arith.constant 0 : i32
          %dma_start3A_74 = tpu.memref_slice %arg7[%add3A_72, %dma_start3A_73] : memref<40x128xi32, #tpu.memory_space<vmem>> -> memref<1x128xi32, #tpu.memory_space<vmem>>
          %dma_start3A_75 = tpu.memref_squeeze %dma_start3A_74 : memref<1x128xi32, #tpu.memory_space<vmem>> -> memref<128xi32, #tpu.memory_space<vmem>>
          %dma_start3A_76 = arith.constant 0 : i32
          %dma_start3A_77 = arith.constant 0 : i32
          %dma_start3A_78 = tpu.memref_slice %arg2[%dma_start3A_76, %dma_start3A_77] : memref<10240x128xf32, #tpu.memory_space<hbm>> -> memref<10240x128xf32, #tpu.memory_space<hbm>>
          tpu.enqueue_indirect_dma source(%dma_start3A_78 : memref<10240x128xf32, #tpu.memory_space<hbm>>) target(%arg10 : memref<128x128xf32, #tpu.memory_space<vmem>>) offsets(%dma_start3A_75 : memref<128xi32, #tpu.memory_space<vmem>>) semaphore(%arg13 : memref<!tpu.dma_semaphore, #tpu.memory_space<semaphore_mem>>)
        } else {
        }
        %dma_wait3A = arith.constant 0 : i32
        %dma_wait3A_66 = tpu.memref_slice %arg7[%scan3A_42, %dma_wait3A] : memref<40x128xi32, #tpu.memory_space<vmem>> -> memref<1x128xi32, #tpu.memory_space<vmem>>
        %dma_wait3A_67 = tpu.memref_squeeze %dma_wait3A_66 : memref<1x128xi32, #tpu.memory_space<vmem>> -> memref<128xi32, #tpu.memory_space<vmem>>
        %dma_wait3A_68 = arith.constant 0 : i32
        %dma_wait3A_69 = arith.constant 0 : i32
        %dma_wait3A_70 = tpu.memref_slice %arg2[%dma_wait3A_68, %dma_wait3A_69] : memref<10240x128xf32, #tpu.memory_space<hbm>> -> memref<10240x128xf32, #tpu.memory_space<hbm>>
        tpu.wait_indirect_dma semaphore(%arg12 : memref<!tpu.dma_semaphore, #tpu.memory_space<semaphore_mem>>) src(%dma_wait3A_70 : memref<10240x128xf32, #tpu.memory_space<hbm>>) dst(%arg9 : memref<128x128xf32, #tpu.memory_space<vmem>>)
        "tpu.region"() ({
          %run_scoped3A = tpu.sem_alloc : memref<!tpu.dma_semaphore, #tpu.memory_space<semaphore_mem>>
          %dma_start3A_71 = arith.constant 0 : i32
          %dma_start3A_72 = tpu.memref_slice %arg8[%scan3A_42, %dma_start3A_71] : memref<40x128xi32, #tpu.memory_space<vmem>> -> memref<1x128xi32, #tpu.memory_space<vmem>>
          %dma_start3A_73 = tpu.memref_squeeze %dma_start3A_72 : memref<1x128xi32, #tpu.memory_space<vmem>> -> memref<128xi32, #tpu.memory_space<vmem>>
          %dma_start3A_74 = arith.constant 0 : i32
          %dma_start3A_75 = arith.constant 0 : i32
          %dma_start3A_76 = tpu.memref_slice %arg11[%dma_start3A_74, %dma_start3A_75] : memref<10240x128xf32, #tpu.memory_space<vmem_shared>> -> memref<10240x128xf32, #tpu.memory_space<vmem_shared>>
          tpu.enqueue_indirect_dma source(%arg9 : memref<128x128xf32, #tpu.memory_space<vmem>>) target(%dma_start3A_76 : memref<10240x128xf32, #tpu.memory_space<vmem_shared>>) offsets(%dma_start3A_73 : memref<128xi32, #tpu.memory_space<vmem>>) semaphore(%run_scoped3A : memref<!tpu.dma_semaphore, #tpu.memory_space<semaphore_mem>>) {add = true}
          %dma_wait3A_77 = arith.constant 0 : i32
          %dma_wait3A_78 = tpu.memref_slice %arg8[%scan3A_42, %dma_wait3A_77] : memref<40x128xi32, #tpu.memory_space<vmem>> -> memref<1x128xi32, #tpu.memory_space<vmem>>
          %dma_wait3A_79 = tpu.memref_squeeze %dma_wait3A_78 : memref<1x128xi32, #tpu.memory_space<vmem>> -> memref<128xi32, #tpu.memory_space<vmem>>
          %dma_wait3A_80 = arith.constant 0 : i32
          %dma_wait3A_81 = arith.constant 0 : i32
          %dma_wait3A_82 = tpu.memref_slice %arg11[%dma_wait3A_80, %dma_wait3A_81] : memref<10240x128xf32, #tpu.memory_space<vmem_shared>> -> memref<10240x128xf32, #tpu.memory_space<vmem_shared>>
          tpu.wait_indirect_dma semaphore(%run_scoped3A : memref<!tpu.dma_semaphore, #tpu.memory_space<semaphore_mem>>) src(%arg9 : memref<128x128xf32, #tpu.memory_space<vmem>>) dst(%dma_wait3A_82 : memref<10240x128xf32, #tpu.memory_space<vmem_shared>>)
          tpu.yield
        }) : () -> ()
      } else {
      }
      %not3A = arith.constant true
      %not3A_55 = arith.xori %eq3A_53, %not3A : i1
      %convert_element_type3A_56 = arith.extui %not3A_55 : i1 to i32
      %cond3A_57 = arith.constant 0 : i32
      %cond3A_58 = arith.cmpi ne, %convert_element_type3A_56, %cond3A_57 : i32
      scf.if %cond3A_58 {
        %add3A_59 = arith.constant 1 : i32
        %add3A_60 = arith.addi %scan3A_42, %add3A_59 : i32
        %lt3A_61 = arith.constant 40 : i32
        %lt3A_62 = arith.cmpi slt, %add3A_60, %lt3A_61 : i32
        %convert_element_type3A_63 = arith.extui %lt3A_62 : i1 to i32
        %cond3A_64 = arith.constant 0 : i32
        %cond3A_65 = arith.cmpi ne, %convert_element_type3A_63, %cond3A_64 : i32
        scf.if %cond3A_65 {
          %add3A_71 = arith.constant 1 : i32
          %add3A_72 = arith.addi %scan3A_42, %add3A_71 : i32
          %dma_start3A_73 = arith.constant 0 : i32
          %dma_start3A_74 = tpu.memref_slice %arg7[%add3A_72, %dma_start3A_73] : memref<40x128xi32, #tpu.memory_space<vmem>> -> memref<1x128xi32, #tpu.memory_space<vmem>>
          %dma_start3A_75 = tpu.memref_squeeze %dma_start3A_74 : memref<1x128xi32, #tpu.memory_space<vmem>> -> memref<128xi32, #tpu.memory_space<vmem>>
          %dma_start3A_76 = arith.constant 0 : i32
          %dma_start3A_77 = arith.constant 0 : i32
          %dma_start3A_78 = tpu.memref_slice %arg2[%dma_start3A_76, %dma_start3A_77] : memref<10240x128xf32, #tpu.memory_space<hbm>> -> memref<10240x128xf32, #tpu.memory_space<hbm>>
          tpu.enqueue_indirect_dma source(%dma_start3A_78 : memref<10240x128xf32, #tpu.memory_space<hbm>>) target(%arg9 : memref<128x128xf32, #tpu.memory_space<vmem>>) offsets(%dma_start3A_75 : memref<128xi32, #tpu.memory_space<vmem>>) semaphore(%arg12 : memref<!tpu.dma_semaphore, #tpu.memory_space<semaphore_mem>>)
        } else {
        }
        %dma_wait3A = arith.constant 0 : i32
        %dma_wait3A_66 = tpu.memref_slice %arg7[%scan3A_42, %dma_wait3A] : memref<40x128xi32, #tpu.memory_space<vmem>> -> memref<1x128xi32, #tpu.memory_space<vmem>>
        %dma_wait3A_67 = tpu.memref_squeeze %dma_wait3A_66 : memref<1x128xi32, #tpu.memory_space<vmem>> -> memref<128xi32, #tpu.memory_space<vmem>>
        %dma_wait3A_68 = arith.constant 0 : i32
        %dma_wait3A_69 = arith.constant 0 : i32
        %dma_wait3A_70 = tpu.memref_slice %arg2[%dma_wait3A_68, %dma_wait3A_69] : memref<10240x128xf32, #tpu.memory_space<hbm>> -> memref<10240x128xf32, #tpu.memory_space<hbm>>
        tpu.wait_indirect_dma semaphore(%arg13 : memref<!tpu.dma_semaphore, #tpu.memory_space<semaphore_mem>>) src(%dma_wait3A_70 : memref<10240x128xf32, #tpu.memory_space<hbm>>) dst(%arg10 : memref<128x128xf32, #tpu.memory_space<vmem>>)
        "tpu.region"() ({
          %run_scoped3A = tpu.sem_alloc : memref<!tpu.dma_semaphore, #tpu.memory_space<semaphore_mem>>
          %dma_start3A_71 = arith.constant 0 : i32
          %dma_start3A_72 = tpu.memref_slice %arg8[%scan3A_42, %dma_start3A_71] : memref<40x128xi32, #tpu.memory_space<vmem>> -> memref<1x128xi32, #tpu.memory_space<vmem>>
          %dma_start3A_73 = tpu.memref_squeeze %dma_start3A_72 : memref<1x128xi32, #tpu.memory_space<vmem>> -> memref<128xi32, #tpu.memory_space<vmem>>
          %dma_start3A_74 = arith.constant 0 : i32
          %dma_start3A_75 = arith.constant 0 : i32
          %dma_start3A_76 = tpu.memref_slice %arg11[%dma_start3A_74, %dma_start3A_75] : memref<10240x128xf32, #tpu.memory_space<vmem_shared>> -> memref<10240x128xf32, #tpu.memory_space<vmem_shared>>
          tpu.enqueue_indirect_dma source(%arg10 : memref<128x128xf32, #tpu.memory_space<vmem>>) target(%dma_start3A_76 : memref<10240x128xf32, #tpu.memory_space<vmem_shared>>) offsets(%dma_start3A_73 : memref<128xi32, #tpu.memory_space<vmem>>) semaphore(%run_scoped3A : memref<!tpu.dma_semaphore, #tpu.memory_space<semaphore_mem>>) {add = true}
          %dma_wait3A_77 = arith.constant 0 : i32
          %dma_wait3A_78 = tpu.memref_slice %arg8[%scan3A_42, %dma_wait3A_77] : memref<40x128xi32, #tpu.memory_space<vmem>> -> memref<1x128xi32, #tpu.memory_space<vmem>>
          %dma_wait3A_79 = tpu.memref_squeeze %dma_wait3A_78 : memref<1x128xi32, #tpu.memory_space<vmem>> -> memref<128xi32, #tpu.memory_space<vmem>>
          %dma_wait3A_80 = arith.constant 0 : i32
          %dma_wait3A_81 = arith.constant 0 : i32
          %dma_wait3A_82 = tpu.memref_slice %arg11[%dma_wait3A_80, %dma_wait3A_81] : memref<10240x128xf32, #tpu.memory_space<vmem_shared>> -> memref<10240x128xf32, #tpu.memory_space<vmem_shared>>
          tpu.wait_indirect_dma semaphore(%run_scoped3A : memref<!tpu.dma_semaphore, #tpu.memory_space<semaphore_mem>>) src(%arg10 : memref<128x128xf32, #tpu.memory_space<vmem>>) dst(%dma_wait3A_82 : memref<10240x128xf32, #tpu.memory_space<vmem_shared>>)
          tpu.yield
        }) : () -> ()
      } else {
      }
    }
    %scan3A_19 = arith.constant 40 : i32
    %mul3A_20 = arith.constant 80 : i32
    %mul3A_21 = arith.muli %add3A, %mul3A_20 : i32
    %add3A_22 = arith.constant 40 : i32
    %add3A_23 = arith.addi %mul3A_21, %add3A_22 : i32
    "tpu.region"() ({
      %run_scoped3A = tpu.sem_alloc : memref<!tpu.dma_semaphore, #tpu.memory_space<semaphore_mem>>
      %dma_start3A_42 = arith.constant 0 : i32
      %dma_start3A_43 = tpu.memref_slice %arg3[%add3A_23, %dma_start3A_42] : memref<2560x128xi32, #tpu.memory_space<hbm>> -> memref<40x128xi32, #tpu.memory_space<hbm>>
      %dma_start3A_44 = arith.constant 0 : i32
      %dma_start3A_45 = tpu.memref_slice %arg3[%add3A_23, %dma_start3A_44] : memref<2560x128xi32, #tpu.memory_space<hbm>> -> memref<40x128xi32, #tpu.memory_space<hbm>>
      tpu.enqueue_dma source(%dma_start3A_45 : memref<40x128xi32, #tpu.memory_space<hbm>>) target(%arg7 : memref<40x128xi32, #tpu.memory_space<vmem>>) target_semaphore(%run_scoped3A : memref<!tpu.dma_semaphore, #tpu.memory_space<semaphore_mem>>)
      %dma_wait3A = arith.constant 0 : i32
      %dma_wait3A_46 = tpu.memref_slice %arg3[%add3A_23, %dma_wait3A] : memref<2560x128xi32, #tpu.memory_space<hbm>> -> memref<40x128xi32, #tpu.memory_space<hbm>>
      %dma_wait3A_47 = arith.constant 0 : i32
      %dma_wait3A_48 = tpu.memref_slice %arg3[%add3A_23, %dma_wait3A_47] : memref<2560x128xi32, #tpu.memory_space<hbm>> -> memref<40x128xi32, #tpu.memory_space<hbm>>
      tpu.wait_dma2 semaphore(%run_scoped3A : memref<!tpu.dma_semaphore, #tpu.memory_space<semaphore_mem>>) src(%dma_wait3A_48 : memref<40x128xi32, #tpu.memory_space<hbm>>) dst(%arg7 : memref<40x128xi32, #tpu.memory_space<vmem>>)
      tpu.yield
    }) : () -> ()
    "tpu.region"() ({
      %run_scoped3A = tpu.sem_alloc : memref<!tpu.dma_semaphore, #tpu.memory_space<semaphore_mem>>
      %dma_start3A_42 = arith.constant 0 : i32
      %dma_start3A_43 = tpu.memref_slice %arg4[%add3A_23, %dma_start3A_42] : memref<2560x128xi32, #tpu.memory_space<hbm>> -> memref<40x128xi32, #tpu.memory_space<hbm>>
      %dma_start3A_44 = arith.constant 0 : i32
      %dma_start3A_45 = tpu.memref_slice %arg4[%add3A_23, %dma_start3A_44] : memref<2560x128xi32, #tpu.memory_space<hbm>> -> memref<40x128xi32, #tpu.memory_space<hbm>>
      tpu.enqueue_dma source(%dma_start3A_45 : memref<40x128xi32, #tpu.memory_space<hbm>>) target(%arg8 : memref<40x128xi32, #tpu.memory_space<vmem>>) target_semaphore(%run_scoped3A : memref<!tpu.dma_semaphore, #tpu.memory_space<semaphore_mem>>)
      %dma_wait3A = arith.constant 0 : i32
      %dma_wait3A_46 = tpu.memref_slice %arg4[%add3A_23, %dma_wait3A] : memref<2560x128xi32, #tpu.memory_space<hbm>> -> memref<40x128xi32, #tpu.memory_space<hbm>>
      %dma_wait3A_47 = arith.constant 0 : i32
      %dma_wait3A_48 = tpu.memref_slice %arg4[%add3A_23, %dma_wait3A_47] : memref<2560x128xi32, #tpu.memory_space<hbm>> -> memref<40x128xi32, #tpu.memory_space<hbm>>
      tpu.wait_dma2 semaphore(%run_scoped3A : memref<!tpu.dma_semaphore, #tpu.memory_space<semaphore_mem>>) src(%dma_wait3A_48 : memref<40x128xi32, #tpu.memory_space<hbm>>) dst(%arg8 : memref<40x128xi32, #tpu.memory_space<vmem>>)
      tpu.yield
    }) : () -> ()
    %dma_start3A_24 = arith.constant 0 : i32
    %dma_start3A_25 = arith.constant 0 : i32
    %dma_start3A_26 = tpu.memref_slice %arg7[%dma_start3A_24, %dma_start3A_25] : memref<40x128xi32, #tpu.memory_space<vmem>> -> memref<1x128xi32, #tpu.memory_space<vmem>>
    %dma_start3A_27 = tpu.memref_squeeze %dma_start3A_26 : memref<1x128xi32, #tpu.memory_space<vmem>> -> memref<128xi32, #tpu.memory_space<vmem>>
    %dma_start3A_28 = arith.constant 0 : i32
    %dma_start3A_29 = arith.constant 0 : i32
    %dma_start3A_30 = tpu.memref_slice %arg2[%dma_start3A_28, %dma_start3A_29] : memref<10240x128xf32, #tpu.memory_space<hbm>> -> memref<10240x128xf32, #tpu.memory_space<hbm>>
    tpu.enqueue_indirect_dma source(%dma_start3A_30 : memref<10240x128xf32, #tpu.memory_space<hbm>>) target(%arg9 : memref<128x128xf32, #tpu.memory_space<vmem>>) offsets(%dma_start3A_27 : memref<128xi32, #tpu.memory_space<vmem>>) semaphore(%arg12 : memref<!tpu.dma_semaphore, #tpu.memory_space<semaphore_mem>>)
    %scan3A_31 = arith.constant 0 : i32
    %scan3A_32 = arith.constant 0 : i32
    %scan3A_33 = arith.constant 40 : i32
    %scan3A_34 = arith.addi %scan3A_32, %scan3A_33 : i32
    %scan3A_35 = arith.constant 1 : i32
    scf.for %scan3A_42 = %scan3A_32 to %scan3A_34 step %scan3A_35  : i32 {
      %jit3A = arith.constant 2 : i32
      %eq3A = arith.constant 0 : i32
      %eq3A_43 = arith.cmpi eq, %jit3A, %eq3A : i32
      %jit3A_44 = arith.constant 1 : i32
      %select_n3A = arith.select %eq3A_43, %jit3A_44, %jit3A : i32
      %rem3A = arith.remsi %scan3A_42, %select_n3A : i32
      %ne3A = arith.constant 0 : i32
      %ne3A_45 = arith.cmpi ne, %rem3A, %ne3A : i32
      %lt3A = arith.constant 0 : i32
      %lt3A_46 = arith.cmpi slt, %rem3A, %lt3A : i32
      %lt3A_47 = arith.constant 0 : i32
      %lt3A_48 = arith.cmpi slt, %select_n3A, %lt3A_47 : i32
      %ne3A_49 = arith.xori %lt3A_46, %lt3A_48 : i1
      %and3A = arith.andi %ne3A_49, %ne3A_45 : i1
      %add3A_50 = arith.addi %rem3A, %select_n3A : i32
      %select_n3A_51 = arith.select %and3A, %add3A_50, %rem3A : i32
      %eq3A_52 = arith.constant 0 : i32
      %eq3A_53 = arith.cmpi eq, %select_n3A_51, %eq3A_52 : i32
      %convert_element_type3A = arith.extui %eq3A_53 : i1 to i32
      %cond3A = arith.constant 0 : i32
      %cond3A_54 = arith.cmpi ne, %convert_element_type3A, %cond3A : i32
      scf.if %cond3A_54 {
        %add3A_59 = arith.constant 1 : i32
        %add3A_60 = arith.addi %scan3A_42, %add3A_59 : i32
        %lt3A_61 = arith.constant 40 : i32
        %lt3A_62 = arith.cmpi slt, %add3A_60, %lt3A_61 : i32
        %convert_element_type3A_63 = arith.extui %lt3A_62 : i1 to i32
        %cond3A_64 = arith.constant 0 : i32
        %cond3A_65 = arith.cmpi ne, %convert_element_type3A_63, %cond3A_64 : i32
        scf.if %cond3A_65 {
          %add3A_71 = arith.constant 1 : i32
          %add3A_72 = arith.addi %scan3A_42, %add3A_71 : i32
          %dma_start3A_73 = arith.constant 0 : i32
          %dma_start3A_74 = tpu.memref_slice %arg7[%add3A_72, %dma_start3A_73] : memref<40x128xi32, #tpu.memory_space<vmem>> -> memref<1x128xi32, #tpu.memory_space<vmem>>
          %dma_start3A_75 = tpu.memref_squeeze %dma_start3A_74 : memref<1x128xi32, #tpu.memory_space<vmem>> -> memref<128xi32, #tpu.memory_space<vmem>>
          %dma_start3A_76 = arith.constant 0 : i32
          %dma_start3A_77 = arith.constant 0 : i32
          %dma_start3A_78 = tpu.memref_slice %arg2[%dma_start3A_76, %dma_start3A_77] : memref<10240x128xf32, #tpu.memory_space<hbm>> -> memref<10240x128xf32, #tpu.memory_space<hbm>>
          tpu.enqueue_indirect_dma source(%dma_start3A_78 : memref<10240x128xf32, #tpu.memory_space<hbm>>) target(%arg10 : memref<128x128xf32, #tpu.memory_space<vmem>>) offsets(%dma_start3A_75 : memref<128xi32, #tpu.memory_space<vmem>>) semaphore(%arg13 : memref<!tpu.dma_semaphore, #tpu.memory_space<semaphore_mem>>)
        } else {
        }
        %dma_wait3A = arith.constant 0 : i32
        %dma_wait3A_66 = tpu.memref_slice %arg7[%scan3A_42, %dma_wait3A] : memref<40x128xi32, #tpu.memory_space<vmem>> -> memref<1x128xi32, #tpu.memory_space<vmem>>
        %dma_wait3A_67 = tpu.memref_squeeze %dma_wait3A_66 : memref<1x128xi32, #tpu.memory_space<vmem>> -> memref<128xi32, #tpu.memory_space<vmem>>
        %dma_wait3A_68 = arith.constant 0 : i32
        %dma_wait3A_69 = arith.constant 0 : i32
        %dma_wait3A_70 = tpu.memref_slice %arg2[%dma_wait3A_68, %dma_wait3A_69] : memref<10240x128xf32, #tpu.memory_space<hbm>> -> memref<10240x128xf32, #tpu.memory_space<hbm>>
        tpu.wait_indirect_dma semaphore(%arg12 : memref<!tpu.dma_semaphore, #tpu.memory_space<semaphore_mem>>) src(%dma_wait3A_70 : memref<10240x128xf32, #tpu.memory_space<hbm>>) dst(%arg9 : memref<128x128xf32, #tpu.memory_space<vmem>>)
        "tpu.region"() ({
          %run_scoped3A = tpu.sem_alloc : memref<!tpu.dma_semaphore, #tpu.memory_space<semaphore_mem>>
          %dma_start3A_71 = arith.constant 0 : i32
          %dma_start3A_72 = tpu.memref_slice %arg8[%scan3A_42, %dma_start3A_71] : memref<40x128xi32, #tpu.memory_space<vmem>> -> memref<1x128xi32, #tpu.memory_space<vmem>>
          %dma_start3A_73 = tpu.memref_squeeze %dma_start3A_72 : memref<1x128xi32, #tpu.memory_space<vmem>> -> memref<128xi32, #tpu.memory_space<vmem>>
          %dma_start3A_74 = arith.constant 0 : i32
          %dma_start3A_75 = arith.constant 0 : i32
          %dma_start3A_76 = tpu.memref_slice %arg11[%dma_start3A_74, %dma_start3A_75] : memref<10240x128xf32, #tpu.memory_space<vmem_shared>> -> memref<10240x128xf32, #tpu.memory_space<vmem_shared>>
          tpu.enqueue_indirect_dma source(%arg9 : memref<128x128xf32, #tpu.memory_space<vmem>>) target(%dma_start3A_76 : memref<10240x128xf32, #tpu.memory_space<vmem_shared>>) offsets(%dma_start3A_73 : memref<128xi32, #tpu.memory_space<vmem>>) semaphore(%run_scoped3A : memref<!tpu.dma_semaphore, #tpu.memory_space<semaphore_mem>>) {add = true}
          %dma_wait3A_77 = arith.constant 0 : i32
          %dma_wait3A_78 = tpu.memref_slice %arg8[%scan3A_42, %dma_wait3A_77] : memref<40x128xi32, #tpu.memory_space<vmem>> -> memref<1x128xi32, #tpu.memory_space<vmem>>
          %dma_wait3A_79 = tpu.memref_squeeze %dma_wait3A_78 : memref<1x128xi32, #tpu.memory_space<vmem>> -> memref<128xi32, #tpu.memory_space<vmem>>
          %dma_wait3A_80 = arith.constant 0 : i32
          %dma_wait3A_81 = arith.constant 0 : i32
          %dma_wait3A_82 = tpu.memref_slice %arg11[%dma_wait3A_80, %dma_wait3A_81] : memref<10240x128xf32, #tpu.memory_space<vmem_shared>> -> memref<10240x128xf32, #tpu.memory_space<vmem_shared>>
          tpu.wait_indirect_dma semaphore(%run_scoped3A : memref<!tpu.dma_semaphore, #tpu.memory_space<semaphore_mem>>) src(%arg9 : memref<128x128xf32, #tpu.memory_space<vmem>>) dst(%dma_wait3A_82 : memref<10240x128xf32, #tpu.memory_space<vmem_shared>>)
          tpu.yield
        }) : () -> ()
      } else {
      }
      %not3A = arith.constant true
      %not3A_55 = arith.xori %eq3A_53, %not3A : i1
      %convert_element_type3A_56 = arith.extui %not3A_55 : i1 to i32
      %cond3A_57 = arith.constant 0 : i32
      %cond3A_58 = arith.cmpi ne, %convert_element_type3A_56, %cond3A_57 : i32
      scf.if %cond3A_58 {
        %add3A_59 = arith.constant 1 : i32
        %add3A_60 = arith.addi %scan3A_42, %add3A_59 : i32
        %lt3A_61 = arith.constant 40 : i32
        %lt3A_62 = arith.cmpi slt, %add3A_60, %lt3A_61 : i32
        %convert_element_type3A_63 = arith.extui %lt3A_62 : i1 to i32
        %cond3A_64 = arith.constant 0 : i32
        %cond3A_65 = arith.cmpi ne, %convert_element_type3A_63, %cond3A_64 : i32
        scf.if %cond3A_65 {
          %add3A_71 = arith.constant 1 : i32
          %add3A_72 = arith.addi %scan3A_42, %add3A_71 : i32
          %dma_start3A_73 = arith.constant 0 : i32
          %dma_start3A_74 = tpu.memref_slice %arg7[%add3A_72, %dma_start3A_73] : memref<40x128xi32, #tpu.memory_space<vmem>> -> memref<1x128xi32, #tpu.memory_space<vmem>>
          %dma_start3A_75 = tpu.memref_squeeze %dma_start3A_74 : memref<1x128xi32, #tpu.memory_space<vmem>> -> memref<128xi32, #tpu.memory_space<vmem>>
          %dma_start3A_76 = arith.constant 0 : i32
          %dma_start3A_77 = arith.constant 0 : i32
          %dma_start3A_78 = tpu.memref_slice %arg2[%dma_start3A_76, %dma_start3A_77] : memref<10240x128xf32, #tpu.memory_space<hbm>> -> memref<10240x128xf32, #tpu.memory_space<hbm>>
          tpu.enqueue_indirect_dma source(%dma_start3A_78 : memref<10240x128xf32, #tpu.memory_space<hbm>>) target(%arg9 : memref<128x128xf32, #tpu.memory_space<vmem>>) offsets(%dma_start3A_75 : memref<128xi32, #tpu.memory_space<vmem>>) semaphore(%arg12 : memref<!tpu.dma_semaphore, #tpu.memory_space<semaphore_mem>>)
        } else {
        }
        %dma_wait3A = arith.constant 0 : i32
        %dma_wait3A_66 = tpu.memref_slice %arg7[%scan3A_42, %dma_wait3A] : memref<40x128xi32, #tpu.memory_space<vmem>> -> memref<1x128xi32, #tpu.memory_space<vmem>>
        %dma_wait3A_67 = tpu.memref_squeeze %dma_wait3A_66 : memref<1x128xi32, #tpu.memory_space<vmem>> -> memref<128xi32, #tpu.memory_space<vmem>>
        %dma_wait3A_68 = arith.constant 0 : i32
        %dma_wait3A_69 = arith.constant 0 : i32
        %dma_wait3A_70 = tpu.memref_slice %arg2[%dma_wait3A_68, %dma_wait3A_69] : memref<10240x128xf32, #tpu.memory_space<hbm>> -> memref<10240x128xf32, #tpu.memory_space<hbm>>
        tpu.wait_indirect_dma semaphore(%arg13 : memref<!tpu.dma_semaphore, #tpu.memory_space<semaphore_mem>>) src(%dma_wait3A_70 : memref<10240x128xf32, #tpu.memory_space<hbm>>) dst(%arg10 : memref<128x128xf32, #tpu.memory_space<vmem>>)
        "tpu.region"() ({
          %run_scoped3A = tpu.sem_alloc : memref<!tpu.dma_semaphore, #tpu.memory_space<semaphore_mem>>
          %dma_start3A_71 = arith.constant 0 : i32
          %dma_start3A_72 = tpu.memref_slice %arg8[%scan3A_42, %dma_start3A_71] : memref<40x128xi32, #tpu.memory_space<vmem>> -> memref<1x128xi32, #tpu.memory_space<vmem>>
          %dma_start3A_73 = tpu.memref_squeeze %dma_start3A_72 : memref<1x128xi32, #tpu.memory_space<vmem>> -> memref<128xi32, #tpu.memory_space<vmem>>
          %dma_start3A_74 = arith.constant 0 : i32
          %dma_start3A_75 = arith.constant 0 : i32
          %dma_start3A_76 = tpu.memref_slice %arg11[%dma_start3A_74, %dma_start3A_75] : memref<10240x128xf32, #tpu.memory_space<vmem_shared>> -> memref<10240x128xf32, #tpu.memory_space<vmem_shared>>
          tpu.enqueue_indirect_dma source(%arg10 : memref<128x128xf32, #tpu.memory_space<vmem>>) target(%dma_start3A_76 : memref<10240x128xf32, #tpu.memory_space<vmem_shared>>) offsets(%dma_start3A_73 : memref<128xi32, #tpu.memory_space<vmem>>) semaphore(%run_scoped3A : memref<!tpu.dma_semaphore, #tpu.memory_space<semaphore_mem>>) {add = true}
          %dma_wait3A_77 = arith.constant 0 : i32
          %dma_wait3A_78 = tpu.memref_slice %arg8[%scan3A_42, %dma_wait3A_77] : memref<40x128xi32, #tpu.memory_space<vmem>> -> memref<1x128xi32, #tpu.memory_space<vmem>>
          %dma_wait3A_79 = tpu.memref_squeeze %dma_wait3A_78 : memref<1x128xi32, #tpu.memory_space<vmem>> -> memref<128xi32, #tpu.memory_space<vmem>>
          %dma_wait3A_80 = arith.constant 0 : i32
          %dma_wait3A_81 = arith.constant 0 : i32
          %dma_wait3A_82 = tpu.memref_slice %arg11[%dma_wait3A_80, %dma_wait3A_81] : memref<10240x128xf32, #tpu.memory_space<vmem_shared>> -> memref<10240x128xf32, #tpu.memory_space<vmem_shared>>
          tpu.wait_indirect_dma semaphore(%run_scoped3A : memref<!tpu.dma_semaphore, #tpu.memory_space<semaphore_mem>>) src(%arg10 : memref<128x128xf32, #tpu.memory_space<vmem>>) dst(%dma_wait3A_82 : memref<10240x128xf32, #tpu.memory_space<vmem_shared>>)
          tpu.yield
        }) : () -> ()
      } else {
      }
    }
    %scan3A_36 = arith.constant 40 : i32
    %barrier3A_37 = arith.constant 0 : index
    tpu.barrier barrier_id(%barrier3A_37)
    %mul3A_38 = arith.constant 640 : i32
    %mul3A_39 = arith.muli %arg1, %mul3A_38 : i32
    %mul3A_40 = arith.constant 640 : i32
    %mul3A_41 = arith.muli %arg1, %mul3A_40 : i32
    "tpu.region"() ({
      %run_scoped3A = tpu.sem_alloc : memref<!tpu.dma_semaphore, #tpu.memory_space<semaphore_mem>>
      %dma_start3A_42 = arith.constant 0 : i32
      %dma_start3A_43 = tpu.memref_slice %arg6[%arg0, %mul3A_41, %dma_start3A_42] : memref<2x10240x128xf32, #tpu.memory_space<hbm>> -> memref<1x640x128xf32, #tpu.memory_space<hbm>>
      %dma_start3A_44 = tpu.memref_squeeze %dma_start3A_43 : memref<1x640x128xf32, #tpu.memory_space<hbm>> -> memref<640x128xf32, #tpu.memory_space<hbm>>
      %dma_start3A_45 = arith.constant 0 : i32
      %dma_start3A_46 = tpu.memref_slice %arg11[%mul3A_39, %dma_start3A_45] : memref<10240x128xf32, #tpu.memory_space<vmem_shared>> -> memref<640x128xf32, #tpu.memory_space<vmem_shared>>
      tpu.enqueue_dma source(%dma_start3A_46 : memref<640x128xf32, #tpu.memory_space<vmem_shared>>) target(%dma_start3A_44 : memref<640x128xf32, #tpu.memory_space<hbm>>) target_semaphore(%run_scoped3A : memref<!tpu.dma_semaphore, #tpu.memory_space<semaphore_mem>>)
      %dma_wait3A = arith.constant 0 : i32
      %dma_wait3A_47 = tpu.memref_slice %arg6[%arg0, %mul3A_41, %dma_wait3A] : memref<2x10240x128xf32, #tpu.memory_space<hbm>> -> memref<1x640x128xf32, #tpu.memory_space<hbm>>
      %dma_wait3A_48 = tpu.memref_squeeze %dma_wait3A_47 : memref<1x640x128xf32, #tpu.memory_space<hbm>> -> memref<640x128xf32, #tpu.memory_space<hbm>>
      %dma_wait3A_49 = arith.constant 0 : i32
      %dma_wait3A_50 = tpu.memref_slice %arg11[%mul3A_39, %dma_wait3A_49] : memref<10240x128xf32, #tpu.memory_space<vmem_shared>> -> memref<640x128xf32, #tpu.memory_space<vmem_shared>>
      tpu.wait_dma2 semaphore(%run_scoped3A : memref<!tpu.dma_semaphore, #tpu.memory_space<semaphore_mem>>) src(%dma_wait3A_50 : memref<640x128xf32, #tpu.memory_space<vmem_shared>>) dst(%dma_wait3A_48 : memref<640x128xf32, #tpu.memory_space<hbm>>)
      tpu.yield
    }) : () -> ()
    return
  }
}

module attributes {stable_mosaic.version = 14 : i64} {
  func.func @_mm_body(%arg0: memref<10240x1xf32, #tpu.memory_space<vmem>>, %arg1: memref<10000x128xf32, #tpu.memory_space<vmem>>, %arg2: memref<128x128xf32, #tpu.memory_space<vmem>>, %arg3: memref<10240x128xf32, #tpu.memory_space<vmem>>) attributes {dimension_semantics = [], scalar_prefetch = 0 : i64, scratch_operands = 0 : i64, tpu.core_type = #tpu.core_type<tc>} {
    %get3A = arith.constant 0 : index
    %get3A_0 = arith.constant 0 : index
    %get3A_1 = vector.load %arg0[%get3A, %get3A_0] : memref<10240x1xf32, #tpu.memory_space<vmem>>, vector<10240x1xf32>
    %add3A = arith.constant 1.000000e+00 : f32
    %add3A_2 = vector.broadcast %add3A : f32 to vector<10240x1xf32>
    %add3A_3 = arith.addf %add3A_2, %get3A_1 : vector<10240x1xf32>
    %rsqrt3A = math.rsqrt %add3A_3 : vector<10240x1xf32>
    %get3A_4 = arith.constant 0 : index
    %get3A_5 = arith.constant 0 : index
    %get3A_6 = vector.load %arg1[%get3A_4, %get3A_5] : memref<10000x128xf32, #tpu.memory_space<vmem>>, vector<10000x128xf32>
    %get3A_7 = arith.constant 0 : index
    %get3A_8 = arith.constant 0 : index
    %get3A_9 = vector.load %arg2[%get3A_7, %get3A_8] : memref<128x128xf32, #tpu.memory_space<vmem>>, vector<128x128xf32>
    %dot_general3A = arith.constant dense<0.000000e+00> : vector<10000x128xf32>
    %dot_general3A_10 = tpu.matmul %get3A_6, %get3A_9, %dot_general3A {dimension_numbers = #tpu.dot_dimension_numbers<[1], [0], [0], [1], [0, 0, 1, 1], [], []>, transpose_lhs_hint = false} : vector<10000x128xf32>, vector<128x128xf32>, vector<10000x128xf32> -> vector<10000x128xf32>
    %slice3A = vector.extract_strided_slice %rsqrt3A {offsets = [0, 0], sizes = [10000, 1], strides = [1, 1]} : vector<10240x1xf32> to vector<10000x1xf32>
    %mul3A = vector.broadcast %slice3A : vector<10000x1xf32> to vector<10000x128xf32>
    %mul3A_11 = arith.mulf %dot_general3A_10, %mul3A : vector<10000x128xf32>
    %swap3A = arith.constant 0 : index
    %swap3A_12 = arith.constant 0 : index
    %swap3A_13 = vector.load %arg3[%swap3A, %swap3A_12] : memref<10240x128xf32, #tpu.memory_space<vmem>>, vector<10000x128xf32>
    tpu.vector_store %arg3[%swap3A, %swap3A_12], %mul3A_11 {strides = array<i32>} : memref<10240x128xf32, #tpu.memory_space<vmem>>, vector<10000x128xf32>,
    %broadcast_in_dim3A = arith.constant 0.000000e+00 : f32
    %broadcast_in_dim3A_14 = vector.broadcast %broadcast_in_dim3A : f32 to vector<240x128xf32>
    %swap3A_15 = arith.constant 10000 : index
    %swap3A_16 = arith.constant 0 : index
    %swap3A_17 = vector.load %arg3[%swap3A_15, %swap3A_16] : memref<10240x128xf32, #tpu.memory_space<vmem>>, vector<240x128xf32>
    tpu.vector_store %arg3[%swap3A_15, %swap3A_16], %broadcast_in_dim3A_14 {strides = array<i32>} : memref<10240x128xf32, #tpu.memory_space<vmem>>, vector<240x128xf32>,
    return
  }
}

module attributes {stable_mosaic.version = 14 : i64} {
  func.func @_epi_mid_body(%arg0: memref<10240x1xf32, #tpu.memory_space<vmem>>, %arg1: memref<2x10240x128xf32, #tpu.memory_space<vmem>>, %arg2: memref<10240x128xf32, #tpu.memory_space<vmem>>, %arg3: memref<1x128xf32, #tpu.memory_space<vmem>>, %arg4: memref<1x128xf32, #tpu.memory_space<vmem>>, %arg5: memref<1x128xf32, #tpu.memory_space<vmem>>, %arg6: memref<1x1xf32, #tpu.memory_space<vmem>>, %arg7: memref<128x128xf32, #tpu.memory_space<vmem>>, %arg8: memref<10240x128xf32, #tpu.memory_space<vmem>>) attributes {dimension_semantics = [], scalar_prefetch = 0 : i64, scratch_operands = 0 : i64, tpu.core_type = #tpu.core_type<tc>} {
    %get3A = arith.constant 0 : index
    %get3A_0 = arith.constant 0 : index
    %get3A_1 = vector.load %arg0[%get3A, %get3A_0] : memref<10240x1xf32, #tpu.memory_space<vmem>>, vector<10240x1xf32>
    %add3A = arith.constant 1.000000e+00 : f32
    %add3A_2 = vector.broadcast %add3A : f32 to vector<10240x1xf32>
    %add3A_3 = arith.addf %add3A_2, %get3A_1 : vector<10240x1xf32>
    %rsqrt3A = math.rsqrt %add3A_3 : vector<10240x1xf32>
    %slice3A = vector.extract_strided_slice %rsqrt3A {offsets = [0, 0], sizes = [10000, 1], strides = [1, 1]} : vector<10240x1xf32> to vector<10000x1xf32>
    %get3A_4 = arith.constant 0 : index
    %get3A_5 = arith.constant 0 : index
    %get3A_6 = arith.constant 0 : index
    %get3A_7 = vector.load %arg1[%get3A_4, %get3A_5, %get3A_6] : memref<2x10240x128xf32, #tpu.memory_space<vmem>>, vector<2x10240x128xf32>
    %get3A_8 = arith.constant 0 : index
    %get3A_9 = arith.constant 0 : index
    %get3A_10 = vector.load %arg2[%get3A_8, %get3A_9] : memref<10240x128xf32, #tpu.memory_space<vmem>>, vector<10000x128xf32>
    %slice3A_11 = vector.extract_strided_slice %get3A_7 {offsets = [0, 0, 0], sizes = [1, 10000, 128], strides = [1, 1, 1]} : vector<2x10240x128xf32> to vector<1x10000x128xf32>
    %squeeze3A = vector.shape_cast %slice3A_11 : vector<1x10000x128xf32> to vector<10000x128xf32>
    %slice3A_12 = vector.extract_strided_slice %get3A_7 {offsets = [1, 0, 0], sizes = [1, 10000, 128], strides = [1, 1, 1]} : vector<2x10240x128xf32> to vector<1x10000x128xf32>
    %squeeze3A_13 = vector.shape_cast %slice3A_12 : vector<1x10000x128xf32> to vector<10000x128xf32>
    %add3A_14 = arith.addf %squeeze3A, %squeeze3A_13 : vector<10000x128xf32>
    %add3A_15 = arith.addf %add3A_14, %get3A_10 : vector<10000x128xf32>
    %mul3A = vector.broadcast %slice3A : vector<10000x1xf32> to vector<10000x128xf32>
    %mul3A_16 = arith.mulf %mul3A, %add3A_15 : vector<10000x128xf32>
    %get3A_17 = arith.constant 0 : index
    %get3A_18 = arith.constant 0 : index
    %get3A_19 = vector.load %arg3[%get3A_17, %get3A_18] : memref<1x128xf32, #tpu.memory_space<vmem>>, vector<1x128xf32>
    %add3A_20 = vector.broadcast %get3A_19 : vector<1x128xf32> to vector<10000x128xf32>
    %add3A_21 = arith.addf %mul3A_16, %add3A_20 : vector<10000x128xf32>
    %reduce_sum3A = arith.constant dense<0.000000e+00> : vector<128xf32>
    %reduce_sum3A_22 = vector.multi_reduction <add>, %add3A_21, %reduce_sum3A [0] : vector<10000x128xf32> to vector<128xf32>
    %broadcast_in_dim3A = vector.shape_cast %reduce_sum3A_22 : vector<128xf32> to vector<1x128xf32>
    %div3A = arith.constant 1.000000e+04 : f32
    %div3A_23 = vector.broadcast %div3A : f32 to vector<1x128xf32>
    %div3A_24 = arith.divf %broadcast_in_dim3A, %div3A_23 : vector<1x128xf32>
    %sub3A = vector.broadcast %div3A_24 : vector<1x128xf32> to vector<10000x128xf32>
    %sub3A_25 = arith.subf %add3A_21, %sub3A : vector<10000x128xf32>
    %integer_pow3A = arith.mulf %sub3A_25, %sub3A_25 : vector<10000x128xf32>
    %reduce_sum3A_26 = arith.constant dense<0.000000e+00> : vector<128xf32>
    %reduce_sum3A_27 = vector.multi_reduction <add>, %integer_pow3A, %reduce_sum3A_26 [0] : vector<10000x128xf32> to vector<128xf32>
    %broadcast_in_dim3A_28 = vector.shape_cast %reduce_sum3A_27 : vector<128xf32> to vector<1x128xf32>
    %div3A_29 = arith.constant 1.000000e+04 : f32
    %div3A_30 = vector.broadcast %div3A_29 : f32 to vector<1x128xf32>
    %div3A_31 = arith.divf %broadcast_in_dim3A_28, %div3A_30 : vector<1x128xf32>
    %sub3A_32 = vector.broadcast %div3A_24 : vector<1x128xf32> to vector<10000x128xf32>
    %sub3A_33 = arith.subf %add3A_21, %sub3A_32 : vector<10000x128xf32>
    %add3A_34 = arith.constant 9.99999974E-6 : f32
    %add3A_35 = vector.broadcast %add3A_34 : f32 to vector<1x128xf32>
    %add3A_36 = arith.addf %div3A_31, %add3A_35 : vector<1x128xf32>
    %rsqrt3A_37 = math.rsqrt %add3A_36 : vector<1x128xf32>
    %mul3A_38 = vector.broadcast %rsqrt3A_37 : vector<1x128xf32> to vector<10000x128xf32>
    %mul3A_39 = arith.mulf %sub3A_33, %mul3A_38 : vector<10000x128xf32>
    %get3A_40 = arith.constant 0 : index
    %get3A_41 = arith.constant 0 : index
    %get3A_42 = vector.load %arg4[%get3A_40, %get3A_41] : memref<1x128xf32, #tpu.memory_space<vmem>>, vector<1x128xf32>
    %mul3A_43 = vector.broadcast %get3A_42 : vector<1x128xf32> to vector<10000x128xf32>
    %mul3A_44 = arith.mulf %mul3A_39, %mul3A_43 : vector<10000x128xf32>
    %get3A_45 = arith.constant 0 : index
    %get3A_46 = arith.constant 0 : index
    %get3A_47 = vector.load %arg5[%get3A_45, %get3A_46] : memref<1x128xf32, #tpu.memory_space<vmem>>, vector<1x128xf32>
    %add3A_48 = vector.broadcast %get3A_47 : vector<1x128xf32> to vector<10000x128xf32>
    %add3A_49 = arith.addf %mul3A_44, %add3A_48 : vector<10000x128xf32>
    %gt3A = arith.constant 0.000000e+00 : f32
    %gt3A_50 = vector.broadcast %gt3A : f32 to vector<10000x128xf32>
    %gt3A_51 = arith.cmpf ogt, %add3A_49, %gt3A_50 : vector<10000x128xf32>
    %get3A_52 = arith.constant 0 : index
    %get3A_53 = arith.constant 0 : index
    %get3A_54 = vector.load %arg6[%get3A_52, %get3A_53] : memref<1x1xf32, #tpu.memory_space<vmem>>, vector<1x1xf32>
    %get3A_55 = vector.extract %get3A_54[0, 0] : f32 from vector<1x1xf32>
    %mul3A_56 = vector.broadcast %get3A_55 : f32 to vector<10000x128xf32>
    %mul3A_57 = arith.mulf %mul3A_56, %add3A_49 : vector<10000x128xf32>
    %select_n3A = arith.select %gt3A_51, %add3A_49, %mul3A_57 : vector<10000x128xi1>, vector<10000x128xf32>
    %get3A_58 = arith.constant 0 : index
    %get3A_59 = arith.constant 0 : index
    %get3A_60 = vector.load %arg7[%get3A_58, %get3A_59] : memref<128x128xf32, #tpu.memory_space<vmem>>, vector<128x128xf32>
    %dot_general3A = arith.constant dense<0.000000e+00> : vector<10000x128xf32>
    %dot_general3A_61 = tpu.matmul %select_n3A, %get3A_60, %dot_general3A {dimension_numbers = #tpu.dot_dimension_numbers<[1], [0], [0], [1], [0, 0, 1, 1], [], []>, transpose_lhs_hint = false} : vector<10000x128xf32>, vector<128x128xf32>, vector<10000x128xf32> -> vector<10000x128xf32>
    %mul3A_62 = vector.broadcast %slice3A : vector<10000x1xf32> to vector<10000x128xf32>
    %mul3A_63 = arith.mulf %mul3A_62, %dot_general3A_61 : vector<10000x128xf32>
    %swap3A = arith.constant 0 : index
    %swap3A_64 = arith.constant 0 : index
    %swap3A_65 = vector.load %arg8[%swap3A, %swap3A_64] : memref<10240x128xf32, #tpu.memory_space<vmem>>, vector<10000x128xf32>
    tpu.vector_store %arg8[%swap3A, %swap3A_64], %mul3A_63 {strides = array<i32>} : memref<10240x128xf32, #tpu.memory_space<vmem>>, vector<10000x128xf32>,
    %broadcast_in_dim3A_66 = arith.constant 0.000000e+00 : f32
    %broadcast_in_dim3A_67 = vector.broadcast %broadcast_in_dim3A_66 : f32 to vector<240x128xf32>
    %swap3A_68 = arith.constant 10000 : index
    %swap3A_69 = arith.constant 0 : index
    %swap3A_70 = vector.load %arg8[%swap3A_68, %swap3A_69] : memref<10240x128xf32, #tpu.memory_space<vmem>>, vector<240x128xf32>
    tpu.vector_store %arg8[%swap3A_68, %swap3A_69], %broadcast_in_dim3A_67 {strides = array<i32>} : memref<10240x128xf32, #tpu.memory_space<vmem>>, vector<240x128xf32>,
    return
  }
}

module attributes {stable_mosaic.version = 14 : i64} {
  func.func @_epi_fin_body(%arg0: memref<10240x1xf32, #tpu.memory_space<vmem>>, %arg1: memref<2x10240x128xf32, #tpu.memory_space<vmem>>, %arg2: memref<10240x128xf32, #tpu.memory_space<vmem>>, %arg3: memref<1x128xf32, #tpu.memory_space<vmem>>, %arg4: memref<1x128xf32, #tpu.memory_space<vmem>>, %arg5: memref<1x128xf32, #tpu.memory_space<vmem>>, %arg6: memref<1x1xf32, #tpu.memory_space<vmem>>, %arg7: memref<10000x128xf32, #tpu.memory_space<vmem>>) attributes {dimension_semantics = [], scalar_prefetch = 0 : i64, scratch_operands = 0 : i64, tpu.core_type = #tpu.core_type<tc>} {
    %get3A = arith.constant 0 : index
    %get3A_0 = arith.constant 0 : index
    %get3A_1 = vector.load %arg0[%get3A, %get3A_0] : memref<10240x1xf32, #tpu.memory_space<vmem>>, vector<10240x1xf32>
    %add3A = arith.constant 1.000000e+00 : f32
    %add3A_2 = vector.broadcast %add3A : f32 to vector<10240x1xf32>
    %add3A_3 = arith.addf %add3A_2, %get3A_1 : vector<10240x1xf32>
    %rsqrt3A = math.rsqrt %add3A_3 : vector<10240x1xf32>
    %slice3A = vector.extract_strided_slice %rsqrt3A {offsets = [0, 0], sizes = [10000, 1], strides = [1, 1]} : vector<10240x1xf32> to vector<10000x1xf32>
    %get3A_4 = arith.constant 0 : index
    %get3A_5 = arith.constant 0 : index
    %get3A_6 = arith.constant 0 : index
    %get3A_7 = vector.load %arg1[%get3A_4, %get3A_5, %get3A_6] : memref<2x10240x128xf32, #tpu.memory_space<vmem>>, vector<2x10240x128xf32>
    %get3A_8 = arith.constant 0 : index
    %get3A_9 = arith.constant 0 : index
    %get3A_10 = vector.load %arg2[%get3A_8, %get3A_9] : memref<10240x128xf32, #tpu.memory_space<vmem>>, vector<10000x128xf32>
    %slice3A_11 = vector.extract_strided_slice %get3A_7 {offsets = [0, 0, 0], sizes = [1, 10000, 128], strides = [1, 1, 1]} : vector<2x10240x128xf32> to vector<1x10000x128xf32>
    %squeeze3A = vector.shape_cast %slice3A_11 : vector<1x10000x128xf32> to vector<10000x128xf32>
    %slice3A_12 = vector.extract_strided_slice %get3A_7 {offsets = [1, 0, 0], sizes = [1, 10000, 128], strides = [1, 1, 1]} : vector<2x10240x128xf32> to vector<1x10000x128xf32>
    %squeeze3A_13 = vector.shape_cast %slice3A_12 : vector<1x10000x128xf32> to vector<10000x128xf32>
    %add3A_14 = arith.addf %squeeze3A, %squeeze3A_13 : vector<10000x128xf32>
    %add3A_15 = arith.addf %add3A_14, %get3A_10 : vector<10000x128xf32>
    %mul3A = vector.broadcast %slice3A : vector<10000x1xf32> to vector<10000x128xf32>
    %mul3A_16 = arith.mulf %mul3A, %add3A_15 : vector<10000x128xf32>
    %get3A_17 = arith.constant 0 : index
    %get3A_18 = arith.constant 0 : index
    %get3A_19 = vector.load %arg3[%get3A_17, %get3A_18] : memref<1x128xf32, #tpu.memory_space<vmem>>, vector<1x128xf32>
    %add3A_20 = vector.broadcast %get3A_19 : vector<1x128xf32> to vector<10000x128xf32>
    %add3A_21 = arith.addf %mul3A_16, %add3A_20 : vector<10000x128xf32>
    %reduce_sum3A = arith.constant dense<0.000000e+00> : vector<128xf32>
    %reduce_sum3A_22 = vector.multi_reduction <add>, %add3A_21, %reduce_sum3A [0] : vector<10000x128xf32> to vector<128xf32>
    %broadcast_in_dim3A = vector.shape_cast %reduce_sum3A_22 : vector<128xf32> to vector<1x128xf32>
    %div3A = arith.constant 1.000000e+04 : f32
    %div3A_23 = vector.broadcast %div3A : f32 to vector<1x128xf32>
    %div3A_24 = arith.divf %broadcast_in_dim3A, %div3A_23 : vector<1x128xf32>
    %sub3A = vector.broadcast %div3A_24 : vector<1x128xf32> to vector<10000x128xf32>
    %sub3A_25 = arith.subf %add3A_21, %sub3A : vector<10000x128xf32>
    %integer_pow3A = arith.mulf %sub3A_25, %sub3A_25 : vector<10000x128xf32>
    %reduce_sum3A_26 = arith.constant dense<0.000000e+00> : vector<128xf32>
    %reduce_sum3A_27 = vector.multi_reduction <add>, %integer_pow3A, %reduce_sum3A_26 [0] : vector<10000x128xf32> to vector<128xf32>
    %broadcast_in_dim3A_28 = vector.shape_cast %reduce_sum3A_27 : vector<128xf32> to vector<1x128xf32>
    %div3A_29 = arith.constant 1.000000e+04 : f32
    %div3A_30 = vector.broadcast %div3A_29 : f32 to vector<1x128xf32>
    %div3A_31 = arith.divf %broadcast_in_dim3A_28, %div3A_30 : vector<1x128xf32>
    %sub3A_32 = vector.broadcast %div3A_24 : vector<1x128xf32> to vector<10000x128xf32>
    %sub3A_33 = arith.subf %add3A_21, %sub3A_32 : vector<10000x128xf32>
    %add3A_34 = arith.constant 9.99999974E-6 : f32
    %add3A_35 = vector.broadcast %add3A_34 : f32 to vector<1x128xf32>
    %add3A_36 = arith.addf %div3A_31, %add3A_35 : vector<1x128xf32>
    %rsqrt3A_37 = math.rsqrt %add3A_36 : vector<1x128xf32>
    %mul3A_38 = vector.broadcast %rsqrt3A_37 : vector<1x128xf32> to vector<10000x128xf32>
    %mul3A_39 = arith.mulf %sub3A_33, %mul3A_38 : vector<10000x128xf32>
    %get3A_40 = arith.constant 0 : index
    %get3A_41 = arith.constant 0 : index
    %get3A_42 = vector.load %arg4[%get3A_40, %get3A_41] : memref<1x128xf32, #tpu.memory_space<vmem>>, vector<1x128xf32>
    %mul3A_43 = vector.broadcast %get3A_42 : vector<1x128xf32> to vector<10000x128xf32>
    %mul3A_44 = arith.mulf %mul3A_39, %mul3A_43 : vector<10000x128xf32>
    %get3A_45 = arith.constant 0 : index
    %get3A_46 = arith.constant 0 : index
    %get3A_47 = vector.load %arg5[%get3A_45, %get3A_46] : memref<1x128xf32, #tpu.memory_space<vmem>>, vector<1x128xf32>
    %add3A_48 = vector.broadcast %get3A_47 : vector<1x128xf32> to vector<10000x128xf32>
    %add3A_49 = arith.addf %mul3A_44, %add3A_48 : vector<10000x128xf32>
    %gt3A = arith.constant 0.000000e+00 : f32
    %gt3A_50 = vector.broadcast %gt3A : f32 to vector<10000x128xf32>
    %gt3A_51 = arith.cmpf ogt, %add3A_49, %gt3A_50 : vector<10000x128xf32>
    %get3A_52 = arith.constant 0 : index
    %get3A_53 = arith.constant 0 : index
    %get3A_54 = vector.load %arg6[%get3A_52, %get3A_53] : memref<1x1xf32, #tpu.memory_space<vmem>>, vector<1x1xf32>
    %get3A_55 = vector.extract %get3A_54[0, 0] : f32 from vector<1x1xf32>
    %mul3A_56 = vector.broadcast %get3A_55 : f32 to vector<10000x128xf32>
    %mul3A_57 = arith.mulf %mul3A_56, %add3A_49 : vector<10000x128xf32>
    %select_n3A = arith.select %gt3A_51, %add3A_49, %mul3A_57 : vector<10000x128xi1>, vector<10000x128xf32>
    %swap3A = arith.constant 0 : index
    %swap3A_58 = arith.constant 0 : index
    %swap3A_59 = vector.load %arg7[%swap3A, %swap3A_58] : memref<10000x128xf32, #tpu.memory_space<vmem>>, vector<10000x128xf32>
    tpu.vector_store %arg7[%swap3A, %swap3A_58], %select_n3A {strides = array<i32>} : memref<10000x128xf32, #tpu.memory_space<vmem>>, vector<10000x128xf32>,
    return
  }
}

</mosaic_0001>

<sc_bundles>
// kernel: kernel.11.cloned.1.call-start
scs
__scs_entry_jumppad:
0x0: {  	(pc) =	sbr.rel $0x88, $3  }
0x1: {  	(tag) =	ssettag $0x0;
	lr =	simm.s32 $0x1  }
0x2: {  	[smem:$0x3F95] =	sst lr;
	_ =	strace $0xD0000000  }
0x3: {  	_ = 	snop  }
0x4: {  	_ = 	snop  }
0x5: {  	_ = 	snop  }
0x6: {  	_ = 	snop  }
0x7: {  	_ = 	snop  }
__scs_overlays_trampoline_lowered:
0x8: {  	[smem:$0x3FA4] =	sst s0  }
0x9: {  	[smem:$0x3FA5] =	sst s1  }
0xa: {  	[smem:$0x3FA6] =	sst s2  }
0xb: {  	[smem:$0x3FA7] =	sst s3  }
0xc: {  	[smem:$0x3FA8] =	sst s4  }
0xd: {  	[smem:$0x3FA9] =	sst s5  }
0xe: {  	[smem:$0x3FAA] =	sst s6  }
0xf: {  	[smem:$0x3FAB] =	sst s7  }
0x10: {  	[smem:$0x3FAC] =	sst s8  }
0x11: {  	[smem:$0x3FAD] =	sst s9;
	s0 =	simm.s32 @!p0 $0x0  }
0x12: {  	s1 =	sld [smem:$0x3F93];
	s0 =	simm.s32 @p0 $0x1  }
0x13: {  	[smem:$0x3FAE] =	sst s0;
	s0 =	simm.s32 @!p1 $0x0  }
0x14: {  	s2 =	sld [smem:$0x3F92];
	s0 =	simm.s32 @p1 $0x1  }
0x15: {  	[smem:$0x3FAF] =	sst s0;
	s0 =	simm.s32 @!p2 $0x0  }
0x16: {  	s3 =	sld [smem:$0x3FDB];
	s0 =	simm.s32 @p2 $0x1  }
0x17: {  	s4 =	simm.s32 $0x1BF5;
	[smem:$0x3FB1] =	sst s0  }
0x18: {  	s0 =	sld [smem:$0x3F94];
	_ =	swait.ge [sflag:s4], $0x0  }
0x19: {  	s7 =	sld [smem:$0x3F95]  }
0x1a: {  	s8 =	sadd.s32 $0xFFFFE003, lr  }
0x1b: {  	s9 =	sadd.s32 $0xFFFFFEF7, lr;
	s5 =	simm.s32 $0xFFFFFFFF;
	p2 =	slt.u32 s8, $0xFFFFF086  }
0x1c: {  	p1 =	slt.u32 s9, $0xF7A;
	s5 =	simm.s32 @!p2 $0x0  }
0x1d: {  	s5 =	simm.s32 @p1 $0x1;
	p0 =	seq.s32 s7, s2  }
0x1e: {  	s7 =	smul.u32 @!p0 $0xF7A, s2;
	p2 =	seq.s32 @!p0 s5, $0x0  }
0x1f: {  	s9 =	smul.u32 $0xF7A, s1;
	s8 =	simm.s32 @!p0 $0x1BF5;
	p2 =	por !p2, p0  }
0x20: {  	[sflag:s8] =	ssyncset.s32 @!p0 $0xFFFFF086;
	s6 =	sadd.s32 @!p0 s3, s7;
	s7 =	simm.s32 @!p0 $0x108  }
0x21: {  	s3 =	sadd.s32 s3, s9;
	s6 =	sadd.s32 @!p0 $0x88, s6;
	s7 =	simm.s32 @p2 $0x1082  }
0x22: {  	[simem:s7], [sflag:s8] =	dma.local @!p0 [hbm:s6], $0xF7A  }
0x23: {  	s9 =	sor.u32 $0xD0000000, s2;
	s6 =	simm.s32 $0x108;
	_ =	swait.ge @!p0 [sflag:s8], $0x0  }
0x24: {  	s3 =	sadd.s32 $0x88, s3;
	s6 =	simm.s32 @!p1 $0x1082;
	[sflag:s4] =	ssyncset.s32 $0xFFFFF086  }
0x25: {  	[simem:s6], [sflag:s4] =	dma.local [hbm:s3], $0xF7A  }
0x26: {  	[smem:$0x3F95] =	sst s1;
	(tag) =	ssettag s2;
	_ =	strace s9  }
0x27: {  	s1 =	sld [smem:$0x3FA5]  }
0x28: {  	s2 =	sld [smem:$0x3FA6]  }
0x29: {  	s4 =	sld [smem:$0x3FA8]  }
0x2a: {  	p0 =	seq.s32 s5, $0x0;
	s5 =	sld [smem:$0x3FA9]  }
0x2b: {  	s6 =	sld [smem:$0x3FAA]  }
0x2c: {  	s7 =	sld [smem:$0x3FAB]  }
0x2d: {  	s3 =	simm.s32 $0x108;
	s8 =	sld [smem:$0x3FAC]  }
0x2e: {  	s3 =	simm.s32 @!p0 $0x1082;
	s9 =	sld [smem:$0x3FAD]  }
0x2f: {  	lr =	sadd.s32 s0, s3;
	s0 =	sld [smem:$0x3FA4]  }
0x30: {  	s3 =	sld [smem:$0x3FA7]  }
0x31: {  	[smem:$0x3FB0] =	sst s10  }
0x32: {  	s10 =	sld [smem:$0x3FAE];
	_ =	sdelay $0x3  }
0x33: {  	p0 =	seq.s32 s10, $0x1;
	s10 =	sld [smem:$0x3FB0];
	_ =	sdelay $0x3  }
0x34: {  	[smem:$0x3FB0] =	sst s10  }
0x35: {  	s10 =	sld [smem:$0x3FAF];
	_ =	sdelay $0x3  }
0x36: {  	p1 =	seq.s32 s10, $0x1;
	s10 =	sld [smem:$0x3FB0];
	_ =	sdelay $0x3  }
0x37: {  	[smem:$0x3FB0] =	sst s10  }
0x38: {  	s10 =	sld [smem:$0x3FB1]  }
0x39: {  	_ = 	snop;
	(pc) =	sbr.ind lr, $3  }
0x3a: {  	_ = 	snop  }
0x3b: {  	_ = 	snop  }
0x3c: {  	p2 =	seq.s32 s10, $0x1;
	s10 =	sld [smem:$0x3FB0]  }
0x3d: {  	_ =	shalt  }
0x3e: {  	_ =	shalt  }
0x3f: {  	_ =	shalt  }
0x40: {  	_ =	shalt  }
0x41: {  	_ =	shalt  }
0x42: {  	_ =	shalt  }
0x43: {  	_ =	shalt  }
0x44: {  	_ =	shalt  }
0x45: {  	_ =	shalt  }
0x46: {  	_ =	shalt  }
0x47: {  	_ =	shalt  }
0x48: {  	_ =	shalt  }
0x49: {  	_ =	shalt  }
0x4a: {  	_ =	shalt  }
0x4b: {  	_ =	shalt  }
0x4c: {  	_ =	shalt  }
0x4d: {  	_ =	shalt  }
0x4e: {  	_ =	shalt  }
0x4f: {  	_ =	shalt  }
0x50: {  	_ =	shalt  }
0x51: {  	_ =	shalt  }
0x52: {  	_ =	shalt  }
0x53: {  	_ =	shalt  }
0x54: {  	_ =	shalt  }
0x55: {  	_ =	shalt  }
0x56: {  	_ =	shalt  }
0x57: {  	_ =	shalt  }
0x58: {  	_ =	shalt  }
0x59: {  	_ =	shalt  }
0x5a: {  	_ =	shalt  }
0x5b: {  	_ =	shalt  }
0x5c: {  	_ =	shalt  }
0x5d: {  	_ =	shalt  }
0x5e: {  	_ =	shalt  }
0x5f: {  	_ =	shalt  }
0x60: {  	_ =	shalt  }
0x61: {  	_ =	shalt  }
0x62: {  	_ =	shalt  }
0x63: {  	_ =	shalt  }
0x64: {  	_ =	shalt  }
0x65: {  	_ =	shalt  }
0x66: {  	_ =	shalt  }
0x67: {  	_ =	shalt  }
0x68: {  	_ =	shalt  }
0x69: {  	_ =	shalt  }
0x6a: {  	_ =	shalt  }
0x6b: {  	_ =	shalt  }
0x6c: {  	_ =	shalt  }
0x6d: {  	_ =	shalt  }
0x6e: {  	_ =	shalt  }
0x6f: {  	_ =	shalt  }
0x70: {  	_ =	shalt  }
0x71: {  	_ =	shalt  }
0x72: {  	_ =	shalt  }
0x73: {  	_ =	shalt  }
0x74: {  	_ =	shalt  }
0x75: {  	_ =	shalt  }
0x76: {  	_ =	shalt  }
0x77: {  	_ =	shalt  }
0x78: {  	_ =	shalt  }
0x79: {  	_ =	shalt  }
0x7a: {  	_ =	shalt  }
0x7b: {  	_ =	shalt  }
0x7c: {  	_ =	shalt  }
0x7d: {  	_ =	shalt  }
0x7e: {  	_ =	shalt  }
0x7f: {  	_ =	shalt  }
0x80: {  	_ =	shalt  }
0x81: {  	_ =	shalt  }
0x82: {  	_ =	shalt  }
0x83: {  	_ =	shalt  }
0x84: {  	_ =	shalt  }
0x85: {  	_ =	shalt  }
0x86: {  	_ =	shalt  }
0x87: {  	_ =	shalt  }
.Lfunc_end0:
.L_simem_size_0:
called_computation.1_lowered:
.L_overlay_start_0:
0x88: {  	s2 =	sld [smem:$0x3FD9]  }
0x89: {  	s3 =	sld [smem:$0x3FFE];
	_ =	sdelay $0x1  }
0x8a: {  	s1 =	srdreg.scid  }
0x8b: {  	s0 =	sand.u32 $0x1, s1  }
0x8c: {  	s17 =	sshll.u32 s0, $0xA;
	s2 =	sadd.s32 s3, s2  }
0x8d: {  	s2 =	sadd.s32 s2, s17  }
0x8e: {  	[smem:$0x3FBC] =	sst s2  }
0x8f: {  	_ = 	snop  }
0x90: {  	s2 =	sld [smem:$0x3FD0];
	(tm) =	ssettm $0x1  }
0x91: {  	s18 =	sld [smem:$0x3FFB];
	_ =	sdelay $0x3  }
0x92: {  	_ =	strace s18  }
0x93: {  	s3 =	sld [smem:$0x3FFC];
	_ =	sdelay $0x3  }
0x94: {  	_ =	strace s3  }
0x95: {  	s3 =	sld [smem:$0x3FFD];
	_ =	sdelay $0x3  }
0x96: {  	_ =	strace s3  }
0x97: {  	_ =	strace $0x8FFFFFFF  }
0x98: {  	s19 =	sld [smem:$0x3FDB];
	_ =	sdelay $0x1  }
0x99: {  	s4 =	simm.s32 $_scs_section_size  }
0x9a: {  	s5 =	simm.s32 $_size__tile_overlayer_lowered;
	s6 =	simm.s32 $_tile_overlayer_lowered  }
0x9b: {  	s22 =	simm.s32 $0x1BFF;
	s21 =	sshll.u32 s6, $0x1;
	s3 =	sadd.s32 s4, s19  }
0x9c: {  	s7 =	simm.s32 $0x0;
	s20 =	sshll.u32 s5, $0x1;
	s5 =	sadd.s32 s21, s3  }
0x9d: {  	[timem:s7], [sflag:s22] =	dma.local [hbm:s5], s20  }
0x9e: {  	_ =	swait.ge [sflag:s22], s20  }
0x9f: {  	s4 =	ssub.s32 $0x0, s20;
	[sflag:s22] =	ssyncset.done $0x0  }
0xa0: {  	[sflag:s22] =	ssyncadd.s32 s4;
	_ =	sdelay $0x1  }
0xa1: {  	s23 =	simm.s32 $0x1B8B  }
0xa2: {  	_ =	swait.ge [sflag:s23], $0x1  }
0xa3: {  	[sflag:s23] =	ssyncset.done $0x0  }
0xa4: {  	s25 =	simm.s32 $0x1B8E;
	s24 =	sld [smem:$0x3FFE];
	[sflag:s23] =	ssyncadd.s32 $0xFFFFFFFF  }
0xa5: {  	s26 =	simm.s32 $execute0_lowered;
	[smem:$0x3FD2] =	sst s25  }
0xa6: {  	s5 =	sshll.u32 s26, $0x1;
	_ =	strace $0x80000049;
	[dreg:$0x1] =	wrdreg $0xFFFFFFFF  }
0xa7: {  	s28 =	simm.s32 $_size_execute0_lowered;
	s3 =	sadd.s32 s3, s5;
	[dreg:$0x0] =	wrdreg $0x0  }
0xa8: {  	s5 =	sshll.u32 s28, $0x1;
	[dreg:$0x2] =	wrdreg s3  }
0xa9: {  	[dreg:$0x3] =	wrdreg s5  }
0xaa: {  	[dreg:$0x4] =	wrdreg $0xC0  }
0xab: {  	_ =	task [dreg:s7], $0x5FFFF  }
0xac: {  	[dreg:$0x1] =	wrdreg $0xFFFFFFFF  }
0xad: {  	[dreg:$0x0] =	wrdreg $0x60  }
0xae: {  	[dreg:$0x2] =	wrdreg s24  }
0xaf: {  	[dreg:$0x3] =	wrdreg s2  }
0xb0: {  	[dreg:$0x4] =	wrdreg $0xA8000  }
0xb1: {  	[dreg:$0x5] =	wrdreg $0x9  }
0xb2: {  	_ =	task.clear_ibuf [dreg:s7], $0x6FFFF;
	_ =	strace $0x90000049  }
0xb3: {  	s29 =	simm.s32 $0x9;
	_ =	strace $0x8000004B  }
0xb4: {  	_ =	swait.ge [sflag:s29], $0x1  }
0xb5: {  	[sflag:s29] =	ssyncadd.s32 $0xFFFFFFFF  }
0xb6: {  	_ =	strace $0x9000004B  }
0xb7: {  	_ =	sfence  }
0xb8: {  	s30 =	sld [smem:$0x0];
	_ =	sdelay $0x2  }
0xb9: {  	s31 =	sshll.u32 s1, $0xD;
	s1 =	sshrl.u32 s1, $0x2  }
0xba: {  	s3 =	sand.u32 $0x4000, s31;
	s1 =	sadd.s32 s1, s30  }
0xbb: {  	s0 =	sor.u32 s3, s0;
	s1 =	sshll.u32 s1, $0x11  }
0xbc: {  	s0 =	sor.u32 s1, s0  }
0xbd: {  	s0 =	sadd.s32 $0x8F2B, s0  }
0xbe: {  	[sflag:s0] =	ssyncadd.remote.s32 $0x1  }
0xbf: {  	_ =	sfence.sel $0xFFFF  }
0xc0: {  	[dreg:$0x0] =	wrdreg $0xFFFFFFFF;
	(pc) =	sbr.abs _section_cstart, $3  }
0xc1: {  	[dreg:$0x1] =	wrdreg $0xFFFFFFFF  }
0xc2: {  	_ =	task.clear_ibuf [dreg:s7], $0x2FFFF;
	_ =	strace $0x9FFFFFFF  }
0xc3: {  	(tm) =	ssettm $0x7FFFFFFF  }
tec
execute0_lowered:
.L_overlay_start_1:
0x0: {  	(tag) =	ssettag $0x1  }
0x1: {  	s5 =	rddreg [dreg:$0x0]  }
0x2: {  	s9 =	rddreg [dreg:$0x1]  }
0x3: {  	s2 =	rddreg [dreg:$0x2]  }
0x4: {  	s0 =	rddreg [dreg:$0x3]  }
0x5: {  	s1 =	stileid.u32;
	s4 =	srdreg.scid  }
0x6: {  	s3 =	simm.s32 $0x0;
	s16 =	simm.s32 $0x2;
	s17 =	simm.s32 $0x2780  }
0x7: {  	s18 =	simm.s32 $0x6800;
	s19 =	simm.s32 $0x80;
	s20 =	simm.s32 $0x0  }
0x8: {  	s6 =	smul.u32 $0x14000, s1;
	s7 =	sand.u32 $0x1, s4;
	[smem:$0x7FF] =	sst s3  }
0x9: {  	s4 =	sadd.s32 $0x34E00, s5;
	s11 =	sadd.s32 $0x2E00, s5;
	s12 =	smul.u32 $0x50000, s1  }
0xa: {  	s29 =	sshll.u32 s1, $0x6;
	s8 =	smul.u32 $0x140000, s7;
	_ =	strace $0x8000004A  }
0xb: {  	s24 =	ssub.s32 $0x2, s7;
	s7 =	sshll.u32 s7, $0x4;
	s10 =	sshrl.u32 s6, $0x3  }
0xc: {  	s25 =	sshrl.u32 s24, $0x1;
	s26 =	sor.u32 s1, s7;
	s28 =	sshrl.u32 s12, $0x2  }
0xd: {  	s6 =	sadd.s32 s6, s8;
	s23 =	sadd.s32 s10, s5;
	s7 =	smul.u32 $0x2800, s26  }
0xe: {  	s14 =	ssub.s32 s24, s25;
	s15 =	sadd.s32 s28, s2;
	s30 =	smul.u32 $0x500, s26  }
0xf: {  	s6 =	sshrl.u32 s6, $0x3;
	s12 =	smax.u32 s14, $0x1;
	s14 =	simm.s32 $0x3  }
0x10: {  	s13 =	sadd.s32 s6, s5;
	s5 =	sadd.s32 $0xCE00, s23;
	s31 =	sshrl.u32 s7, $0x3  }
0x11: {  	s6 =	sor.u32 $0x1C03, s29;
	s7 =	sadd.s32 s9, s30;
	s10 =	sadd.s32 $0x280, s31  }
0x12: {  	s8 =	sadd.s32 s11, s30;
	s9 =	sadd.s32 s9, s10;
	s10 =	sadd.s32 s11, s10  }
0x13: {  	s11 =	sadd.s32 $0x5CE00, s13;
	s13 =	sshrl.u32 s15, $0x3;
	s15 =	simm.s32 $0x2800  }
.LBB2_1:
0x14: {  	[spmem:s13], [sflag:s6] =	dma.local [hbm:s5], $0x2800  }
0x15: {  	_ =	swait.ge [sflag:s14], $0x2800  }
0x16: {  	[sflag:s14] =	ssyncset.done $0x0  }
0x17: {  	[sflag:s14] =	ssyncadd.s32 $0xFFFFD800  }
0x18: {  	[bflag:$0x0] =	sbarrier.arrive $0xFFFF  }
0x19: {  	[tilespmem:s3], [sflag:$0x3] =	stream.linear.gather [hbm4b:s7+s3], $0x1400, $0x38;
	[tilespmem:$0x1E800] =	vst v63  }
0x1a: {  	_ =	swait.ge [sflag:s14], $0x1400  }
0x1b: {  	[sflag:s14] =	ssyncset.done $0x0  }
0x1c: {  	s21 =	simm.s32 $0x1400;
	[sflag:s14] =	ssyncadd.s32 $0xFFFFEC00  }
0x1d: {  	[tilespmem:s21], [sflag:$0x3] =	stream.linear.gather [hbm4b:s8+s3], $0x1400, $0x38;
	[tilespmem:$0x1E800] =	vst v63  }
0x1e: {  	_ =	swait.ge [sflag:s14], $0x1400  }
0x1f: {  	s22 =	sand.u32 $0x1, s3;
	[sflag:s14] =	ssyncset.done $0x0  }
0x20: {  	p0 =	seq.s32 s22, $0x1;
	[sflag:s14] =	ssyncadd.s32 $0xFFFFEC00  }
0x21: {  	[tilespmem:s15], [sflag:$0x1] =	stream.indirect.gather [hbm4b:s4+s19], $0x80, s3, s19, $0xb8;
	[tilespmem:$0x1E800] =	vst v63  }
0x22: {  	s22 =	simm.s32 @p0 $0x80;
	s23 =	simm.s32 @p0 $0x2800;
	s24 =	simm.s32 @p0 $0x2  }
0x23: {  	[tilespmem:s23], [sflag:$0x1] =	stream.indirect.gather @p0 [hbm4b:s4+s22], $0x80, s19, s22, $0xb8;
	[tilespmem:$0x1E800] =	vst v63  }
0x24: {  	_ =	swait.ge @p0 [sflag:s24], $0x4000  }
0x25: {  	[sflag:s24] =	ssyncset.done @p0 $0x0  }
0x26: {  	s23 =	simm.s32 @p0 $0x6800;
	[sflag:s24] =	ssyncadd.s32 @p0 $0xFFFFC000  }
0x27: {  	[spmem:s2] =	stream.indirect.scatter.add.f32 @p0 [tilespmem:s23], [sflag:$0x3], $0x80, s21, s22, $0xb8;
	[tilespmem:$0x1E800] =	vst v63  }
0x28: {  	s25 =	simm.s32 @!p0 $0x1;
	s22 =	simm.s32 @!p0 $0x80;
	s23 =	simm.s32 @!p0 $0x6800  }
0x29: {  	[tilespmem:s23], [sflag:$0x2] =	stream.indirect.gather @!p0 [hbm4b:s4+s22], $0x80, s19, s22, $0xb8;
	[tilespmem:$0x1E800] =	vst v63  }
0x2a: {  	_ =	swait.ge @!p0 [sflag:s25], $0x4000  }
0x2b: {  	s26 =	simm.s32 $0x1;
	s24 =	simm.s32 @!p0 $0x4;
	[sflag:s25] =	ssyncset.done @!p0 $0x0  }
0x2c: {  	s24 =	simm.s32 @p0 $0x3;
	s23 =	simm.s32 @!p0 $0x2800;
	[sflag:s25] =	ssyncadd.s32 @!p0 $0xFFFFC000  }
0x2d: {  	[spmem:s2] =	stream.indirect.scatter.add.f32 @!p0 [tilespmem:s23], [sflag:$0x4], $0x80, s21, s22, $0xb8;
	[tilespmem:$0x1E800] =	vst v63  }
0x2e: {  	s25 =	sand.u32 $0x1, s26;
	s23 =	simm.s32 $0x2;
	_ =	swait.ge [sflag:s24], $0x4000  }
0x2f: {  	s22 =	simm.s32 $0x100;
	s21 =	simm.s32 $0x1480;
	[sflag:s24] =	ssyncset.done $0x0  }
.LBB2_2:
0x30: {  	p0 =	seq.s32 s25, $0x1  }
0x31: {  	[sflag:s24] =	ssyncadd.s32 $0xFFFFC000;
	s25 =	smov.u32 s23;
	s23 =	sadd.s32 $0x1, s23  }
0x32: {  	s26 =	simm.s32 @p0 $0x80;
	s24 =	simm.s32 @p0 $0x2800;
	s28 =	simm.s32 @p0 $0x2  }
0x33: {  	[tilespmem:s24], [sflag:$0x1] =	stream.indirect.gather @p0 [hbm4b:s4+s26], $0x80, s22, s26, $0xb8;
	[tilespmem:$0x1E800] =	vst v63  }
0x34: {  	p1 =	sne.s32 s23, $0x27;
	s24 =	simm.s32 @!p0 $0x4;
	_ =	swait.ge @p0 [sflag:s28], $0x4000  }
0x35: {  	[sflag:s28] =	ssyncset.done @p0 $0x0  }
0x36: {  	[sflag:s28] =	ssyncadd.s32 @p0 $0xFFFFC000;
	s28 =	simm.s32 @p0 $0x6800  }
0x37: {  	[spmem:s2] =	stream.indirect.scatter.add.f32 @p0 [tilespmem:s28], [sflag:$0x3], $0x80, s21, s26, $0xb8;
	[tilespmem:$0x1E800] =	vst v63  }
0x38: {  	s29 =	simm.s32 @!p0 $0x1;
	s26 =	simm.s32 @!p0 $0x80;
	s28 =	simm.s32 @!p0 $0x6800  }
0x39: {  	[tilespmem:s28], [sflag:$0x2] =	stream.indirect.gather @!p0 [hbm4b:s4+s26], $0x80, s22, s26, $0xb8;
	[tilespmem:$0x1E800] =	vst v63  }
0x3a: {  	_ =	swait.ge @!p0 [sflag:s29], $0x4000  }
.Ltmp0:
0x3b: {  	[sflag:s29] =	ssyncset.done @!p0 $0x0;
	(pc) =	sbr.rel @p1 .LBB2_2-.Ltmp0, $4  }
0x3c: {  	s24 =	simm.s32 @p0 $0x3;
	s28 =	simm.s32 @!p0 $0x2800;
	[sflag:s29] =	ssyncadd.s32 @!p0 $0xFFFFC000  }
0x3d: {  	[spmem:s2] =	stream.indirect.scatter.add.f32 @!p0 [tilespmem:s28], [sflag:$0x4], $0x80, s21, s26, $0xb8;
	[tilespmem:$0x1E800] =	vst v63  }
0x3e: {  	s22 =	sadd.s32 $0x80, s22;
	_ =	swait.ge [sflag:s24], $0x4000  }
0x3f: {  	s25 =	sand.u32 $0x1, s25;
	s21 =	sadd.s32 $0x80, s21;
	[sflag:s24] =	ssyncset.done $0x0  }
0x40: {  	p0 =	seq.s32 s25, $0x1;
	[sflag:s24] =	ssyncadd.s32 $0xFFFFC000  }
0x41: {  	s23 =	simm.s32 @p0 $0x80;
	s24 =	simm.s32 @p0 $0x2800;
	s25 =	simm.s32 @p0 $0x2  }
0x42: {  	[tilespmem:s24], [sflag:$0x1] =	stream.indirect.gather @p0 [hbm4b:s4+s23], $0x80, s22, s23, $0xb8;
	[tilespmem:$0x1E800] =	vst v63  }
0x43: {  	_ =	swait.ge @p0 [sflag:s25], $0x4000  }
0x44: {  	[sflag:s25] =	ssyncset.done @p0 $0x0  }
0x45: {  	s24 =	simm.s32 @p0 $0x6800;
	[sflag:s25] =	ssyncadd.s32 @p0 $0xFFFFC000  }
0x46: {  	[spmem:s2] =	stream.indirect.scatter.add.f32 @p0 [tilespmem:s24], [sflag:$0x3], $0x80, s21, s23, $0xb8;
	[tilespmem:$0x1E800] =	vst v63  }
0x47: {  	s25 =	simm.s32 @!p0 $0x1;
	s23 =	simm.s32 @!p0 $0x80;
	s24 =	simm.s32 @!p0 $0x6800  }
0x48: {  	[tilespmem:s24], [sflag:$0x2] =	stream.indirect.gather @!p0 [hbm4b:s4+s23], $0x80, s22, s23, $0xb8;
	[tilespmem:$0x1E800] =	vst v63  }
0x49: {  	_ =	swait.ge @!p0 [sflag:s25], $0x4000  }
0x4a: {  	s22 =	simm.s32 @!p0 $0x4;
	[sflag:s25] =	ssyncset.done @!p0 $0x0  }
0x4b: {  	s24 =	simm.s32 @!p0 $0x2800;
	s22 =	simm.s32 @p0 $0x3;
	[sflag:s25] =	ssyncadd.s32 @!p0 $0xFFFFC000  }
0x4c: {  	[spmem:s2] =	stream.indirect.scatter.add.f32 @!p0 [tilespmem:s24], [sflag:$0x4], $0x80, s21, s23, $0xb8;
	[tilespmem:$0x1E800] =	vst v63  }
0x4d: {  	_ =	swait.ge [sflag:s22], $0x4000  }
0x4e: {  	[sflag:s22] =	ssyncset.done $0x0  }
0x4f: {  	[sflag:s22] =	ssyncadd.s32 $0xFFFFC000  }
0x50: {  	_ =	swait.ge [sflag:s16], $0x4000  }
0x51: {  	[sflag:s16] =	ssyncset.done $0x0  }
0x52: {  	s21 =	simm.s32 $0x80;
	[sflag:s16] =	ssyncadd.s32 $0xFFFFC000  }
0x53: {  	[spmem:s2] =	stream.indirect.scatter.add.f32 [tilespmem:s18], [sflag:$0x3], $0x80, s17, s21, $0xb8;
	[tilespmem:$0x1E800] =	vst v63  }
0x54: {  	_ =	swait.ge [sflag:s14], $0x4000  }
0x55: {  	[sflag:s14] =	ssyncset.done $0x0  }
0x56: {  	s30 =	simm.s32 $0x0;
	[sflag:s14] =	ssyncadd.s32 $0xFFFFC000  }
0x57: {  	[tilespmem:s30], [sflag:$0x3] =	stream.linear.gather [hbm4b:s9+s30], $0x1400, $0x38;
	[tilespmem:$0x1E800] =	vst v63  }
0x58: {  	_ =	swait.ge [sflag:s14], $0x1400  }
0x59: {  	[sflag:s14] =	ssyncset.done $0x0  }
0x5a: {  	s23 =	simm.s32 $0x1400;
	[sflag:s14] =	ssyncadd.s32 $0xFFFFEC00  }
0x5b: {  	[tilespmem:s23], [sflag:$0x3] =	stream.linear.gather [hbm4b:s10+s30], $0x1400, $0x38;
	[tilespmem:$0x1E800] =	vst v63  }
0x5c: {  	_ =	swait.ge [sflag:s14], $0x1400  }
0x5d: {  	s22 =	sand.u32 $0x1, s30;
	[sflag:s14] =	ssyncset.done $0x0  }
0x5e: {  	p0 =	seq.s32 s22, $0x1;
	[sflag:s14] =	ssyncadd.s32 $0xFFFFEC00  }
0x5f: {  	[tilespmem:s15], [sflag:$0x1] =	stream.indirect.gather [hbm4b:s4+s21], $0x80, s30, s21, $0xb8;
	[tilespmem:$0x1E800] =	vst v63  }
0x60: {  	s22 =	simm.s32 @p0 $0x80;
	s24 =	simm.s32 @p0 $0x2800;
	s25 =	simm.s32 @p0 $0x2  }
0x61: {  	[tilespmem:s24], [sflag:$0x1] =	stream.indirect.gather @p0 [hbm4b:s4+s22], $0x80, s21, s22, $0xb8;
	[tilespmem:$0x1E800] =	vst v63  }
0x62: {  	_ =	swait.ge @p0 [sflag:s25], $0x4000  }
0x63: {  	[sflag:s25] =	ssyncset.done @p0 $0x0  }
0x64: {  	s24 =	simm.s32 @p0 $0x6800;
	[sflag:s25] =	ssyncadd.s32 @p0 $0xFFFFC000  }
0x65: {  	[spmem:s2] =	stream.indirect.scatter.add.f32 @p0 [tilespmem:s24], [sflag:$0x3], $0x80, s23, s22, $0xb8;
	[tilespmem:$0x1E800] =	vst v63  }
0x66: {  	s25 =	simm.s32 @!p0 $0x1;
	s22 =	simm.s32 @!p0 $0x80;
	s24 =	simm.s32 @!p0 $0x6800  }
0x67: {  	[tilespmem:s24], [sflag:$0x2] =	stream.indirect.gather @!p0 [hbm4b:s4+s22], $0x80, s21, s22, $0xb8;
	[tilespmem:$0x1E800] =	vst v63  }
0x68: {  	_ =	swait.ge @!p0 [sflag:s25], $0x4000  }
0x69: {  	s31 =	simm.s32 $0x1;
	s24 =	simm.s32 @!p0 $0x4;
	[sflag:s25] =	ssyncset.done @!p0 $0x0  }
0x6a: {  	s24 =	simm.s32 @p0 $0x3;
	[sflag:s25] =	ssyncadd.s32 @!p0 $0xFFFFC000;
	s25 =	simm.s32 @!p0 $0x2800  }
0x6b: {  	[spmem:s2] =	stream.indirect.scatter.add.f32 @!p0 [tilespmem:s25], [sflag:$0x4], $0x80, s23, s22, $0xb8;
	[tilespmem:$0x1E800] =	vst v63  }
0x6c: {  	s21 =	simm.s32 $0x1480;
	s23 =	simm.s32 $0x2;
	_ =	swait.ge [sflag:s24], $0x4000  }
0x6d: {  	s22 =	simm.s32 $0x100;
	s25 =	sand.u32 $0x1, s31;
	[sflag:s24] =	ssyncset.done $0x0  }
.LBB2_4:
0x6e: {  	p0 =	seq.s32 s25, $0x1  }
0x6f: {  	[sflag:s24] =	ssyncadd.s32 $0xFFFFC000;
	s25 =	smov.u32 s23;
	s23 =	sadd.s32 $0x1, s23  }
0x70: {  	s26 =	simm.s32 @p0 $0x80;
	s24 =	simm.s32 @p0 $0x2800;
	s28 =	simm.s32 @p0 $0x2  }
0x71: {  	[tilespmem:s24], [sflag:$0x1] =	stream.indirect.gather @p0 [hbm4b:s4+s26], $0x80, s22, s26, $0xb8;
	[tilespmem:$0x1E800] =	vst v63  }
0x72: {  	p1 =	sne.s32 s23, $0x27;
	s24 =	simm.s32 @!p0 $0x4;
	_ =	swait.ge @p0 [sflag:s28], $0x4000  }
0x73: {  	[sflag:s28] =	ssyncset.done @p0 $0x0  }
0x74: {  	[sflag:s28] =	ssyncadd.s32 @p0 $0xFFFFC000;
	s28 =	simm.s32 @p0 $0x6800  }
0x75: {  	[spmem:s2] =	stream.indirect.scatter.add.f32 @p0 [tilespmem:s28], [sflag:$0x3], $0x80, s21, s26, $0xb8;
	[tilespmem:$0x1E800] =	vst v63  }
0x76: {  	s29 =	simm.s32 @!p0 $0x1;
	s26 =	simm.s32 @!p0 $0x80;
	s28 =	simm.s32 @!p0 $0x6800  }
0x77: {  	[tilespmem:s28], [sflag:$0x2] =	stream.indirect.gather @!p0 [hbm4b:s4+s26], $0x80, s22, s26, $0xb8;
	[tilespmem:$0x1E800] =	vst v63  }
0x78: {  	_ =	swait.ge @!p0 [sflag:s29], $0x4000  }
.Ltmp1:
0x79: {  	[sflag:s29] =	ssyncset.done @!p0 $0x0;
	(pc) =	sbr.rel @p1 .LBB2_4-.Ltmp1, $4  }
0x7a: {  	s24 =	simm.s32 @p0 $0x3;
	s28 =	simm.s32 @!p0 $0x2800;
	[sflag:s29] =	ssyncadd.s32 @!p0 $0xFFFFC000  }
0x7b: {  	[spmem:s2] =	stream.indirect.scatter.add.f32 @!p0 [tilespmem:s28], [sflag:$0x4], $0x80, s21, s26, $0xb8;
	[tilespmem:$0x1E800] =	vst v63  }
0x7c: {  	s22 =	sadd.s32 $0x80, s22;
	_ =	swait.ge [sflag:s24], $0x4000  }
0x7d: {  	s25 =	sand.u32 $0x1, s25;
	s21 =	sadd.s32 $0x80, s21;
	[sflag:s24] =	ssyncset.done $0x0  }
0x7e: {  	p0 =	seq.s32 s25, $0x1;
	[sflag:s24] =	ssyncadd.s32 $0xFFFFC000  }
0x7f: {  	s23 =	simm.s32 @p0 $0x80;
	s24 =	simm.s32 @p0 $0x2800;
	s25 =	simm.s32 @p0 $0x2  }
0x80: {  	[tilespmem:s24], [sflag:$0x1] =	stream.indirect.gather @p0 [hbm4b:s4+s23], $0x80, s22, s23, $0xb8;
	[tilespmem:$0x1E800] =	vst v63  }
0x81: {  	_ =	swait.ge @p0 [sflag:s25], $0x4000  }
0x82: {  	[sflag:s25] =	ssyncset.done @p0 $0x0  }
0x83: {  	s24 =	simm.s32 @p0 $0x6800;
	[sflag:s25] =	ssyncadd.s32 @p0 $0xFFFFC000  }
0x84: {  	[spmem:s2] =	stream.indirect.scatter.add.f32 @p0 [tilespmem:s24], [sflag:$0x3], $0x80, s21, s23, $0xb8;
	[tilespmem:$0x1E800] =	vst v63  }
0x85: {  	s25 =	simm.s32 @!p0 $0x1;
	s23 =	simm.s32 @!p0 $0x80;
	s24 =	simm.s32 @!p0 $0x6800  }
0x86: {  	[tilespmem:s24], [sflag:$0x2] =	stream.indirect.gather @!p0 [hbm4b:s4+s23], $0x80, s22, s23, $0xb8;
	[tilespmem:$0x1E800] =	vst v63  }
0x87: {  	_ =	swait.ge @!p0 [sflag:s25], $0x4000  }
0x88: {  	s22 =	simm.s32 @!p0 $0x4;
	[sflag:s25] =	ssyncset.done @!p0 $0x0  }
0x89: {  	s24 =	simm.s32 @!p0 $0x2800;
	s22 =	simm.s32 @p0 $0x3;
	[sflag:s25] =	ssyncadd.s32 @!p0 $0xFFFFC000  }
0x8a: {  	[spmem:s2] =	stream.indirect.scatter.add.f32 @!p0 [tilespmem:s24], [sflag:$0x4], $0x80, s21, s23, $0xb8;
	[tilespmem:$0x1E800] =	vst v63  }
0x8b: {  	_ =	swait.ge [sflag:s22], $0x4000  }
0x8c: {  	[sflag:s22] =	ssyncset.done $0x0  }
0x8d: {  	[sflag:s22] =	ssyncadd.s32 $0xFFFFC000  }
0x8e: {  	_ =	swait.ge [sflag:s16], $0x4000  }
0x8f: {  	[sflag:s16] =	ssyncset.done $0x0  }
0x90: {  	[sflag:s16] =	ssyncadd.s32 $0xFFFFC000  }
0x91: {  	[spmem:s2] =	stream.indirect.scatter.add.f32 [tilespmem:s18], [sflag:$0x3], $0x80, s17, s19, $0xb8;
	[tilespmem:$0x1E800] =	vst v63  }
0x92: {  	_ =	swait.ge [sflag:s14], $0x4000  }
0x93: {  	s20 =	sadd.s32 $0x1, s20;
	[sflag:s14] =	ssyncset.done $0x0  }
0x94: {  	p0 =	sne.s32 s20, s12;
	[sflag:s14] =	ssyncadd.s32 $0xFFFFC000  }
.Ltmp2:
0x95: {  	[bflag:$0x0] =	sbarrier.arrive $0xFFFF;
	(pc) =	sbr.rel @p0 .LBB2_1-.Ltmp2, $4  }
0x96: {  	[hbm:s11], [sflag:s6] =	dma.local [spmem:s13], $0x2800  }
0x97: {  	_ =	swait.ge [sflag:s14], $0x2800  }
0x98: {  	[sflag:s14] =	ssyncset.done $0x0  }
0x99: {  	[sflag:s14] =	ssyncadd.s32 $0xFFFFD800  }
0x9a: {  	_ =	sfence.sel $0x180000  }
0x9b: {  	[bflag:$0x0] =	sbarrier.arrive $0xFFFF  }
0x9c: {  	p0 =	sne.s32 s1, $0x0;
	_ =	strace $0x9000004A  }
0x9d: {  	s0 =	sadd.s32 @!p0 $0x100000, s0;
	[bflag:$0x2] =	sbarrier.arrive $0xFFFF  }
0x9e: {  	[sflag:s0] =	ssyncadd.tile.s32 @!p0 $0x1;
	_ =	shalt  }
.Lfunc_end2:
_tile_overlayer_lowered:
.L_overlay_start_2:
0x9f: {  	(tag) =	ssettag $0x2  }
0xa0: {  	s0 =	rddreg [dreg:$0x0];
	s2 =	stileid.u32  }
0xa1: {  	s1 =	rddreg [dreg:$0x1];
	p0 =	sne.s32 s2, $0x0  }
0xa2: {  	s3 =	rddreg [dreg:$0x2];
	[bflag:$0x3] =	sbarrier.arrive $0xFFFF;
	s2 =	simm.s32 @!p0 $0x1C03  }
0xa3: {  	[timem:s3], [sflag:s2] =	dma.local @!p0 [hbm:s0], s1  }
0xa4: {  	s0 =	simm.s32 @!p0 $0x3  }
0xa5: {  	_ =	swait.ge @!p0 [sflag:s0], s1  }
0xa6: {  	s1 =	ssub.s32 @!p0 $0x0, s1;
	[sflag:s0] =	ssyncset.done @!p0 $0x0  }
0xa7: {  	[sflag:s0] =	ssyncadd.s32 @!p0 s1  }
0xa8: {  	[bflag:$0x3] =	sbarrier.arrive $0xFFFF  }
0xa9: {  	_ =	shalt  }

// kernel: kernel.14.cloned.1.call-start
scs
__scs_entry_jumppad:
0x0: {  	(pc) =	sbr.rel $0x88, $3  }
0x1: {  	(tag) =	ssettag $0x0;
	lr =	simm.s32 $0x1  }
0x2: {  	[smem:$0x3F95] =	sst lr;
	_ =	strace $0xD0000000  }
0x3: {  	_ = 	snop  }
0x4: {  	_ = 	snop  }
0x5: {  	_ = 	snop  }
0x6: {  	_ = 	snop  }
0x7: {  	_ = 	snop  }
__scs_overlays_trampoline_lowered:
0x8: {  	[smem:$0x3FA4] =	sst s0  }
0x9: {  	[smem:$0x3FA5] =	sst s1  }
0xa: {  	[smem:$0x3FA6] =	sst s2  }
0xb: {  	[smem:$0x3FA7] =	sst s3  }
0xc: {  	[smem:$0x3FA8] =	sst s4  }
0xd: {  	[smem:$0x3FA9] =	sst s5  }
0xe: {  	[smem:$0x3FAA] =	sst s6  }
0xf: {  	[smem:$0x3FAB] =	sst s7  }
0x10: {  	[smem:$0x3FAC] =	sst s8  }
0x11: {  	[smem:$0x3FAD] =	sst s9;
	s0 =	simm.s32 @!p0 $0x0  }
0x12: {  	s1 =	sld [smem:$0x3F93];
	s0 =	simm.s32 @p0 $0x1  }
0x13: {  	[smem:$0x3FAE] =	sst s0;
	s0 =	simm.s32 @!p1 $0x0  }
0x14: {  	s2 =	sld [smem:$0x3F92];
	s0 =	simm.s32 @p1 $0x1  }
0x15: {  	[smem:$0x3FAF] =	sst s0;
	s0 =	simm.s32 @!p2 $0x0  }
0x16: {  	s3 =	sld [smem:$0x3FDB];
	s0 =	simm.s32 @p2 $0x1  }
0x17: {  	s4 =	simm.s32 $0x1BF5;
	[smem:$0x3FB1] =	sst s0  }
0x18: {  	s0 =	sld [smem:$0x3F94];
	_ =	swait.ge [sflag:s4], $0x0  }
0x19: {  	s7 =	sld [smem:$0x3F95]  }
0x1a: {  	s8 =	sadd.s32 $0xFFFFE003, lr  }
0x1b: {  	s9 =	sadd.s32 $0xFFFFFEF7, lr;
	s5 =	simm.s32 $0xFFFFFFFF;
	p2 =	slt.u32 s8, $0xFFFFF086  }
0x1c: {  	p1 =	slt.u32 s9, $0xF7A;
	s5 =	simm.s32 @!p2 $0x0  }
0x1d: {  	s5 =	simm.s32 @p1 $0x1;
	p0 =	seq.s32 s7, s2  }
0x1e: {  	s7 =	smul.u32 @!p0 $0xF7A, s2;
	p2 =	seq.s32 @!p0 s5, $0x0  }
0x1f: {  	s9 =	smul.u32 $0xF7A, s1;
	s8 =	simm.s32 @!p0 $0x1BF5;
	p2 =	por !p2, p0  }
0x20: {  	[sflag:s8] =	ssyncset.s32 @!p0 $0xFFFFF086;
	s6 =	sadd.s32 @!p0 s3, s7;
	s7 =	simm.s32 @!p0 $0x108  }
0x21: {  	s3 =	sadd.s32 s3, s9;
	s6 =	sadd.s32 @!p0 $0x88, s6;
	s7 =	simm.s32 @p2 $0x1082  }
0x22: {  	[simem:s7], [sflag:s8] =	dma.local @!p0 [hbm:s6], $0xF7A  }
0x23: {  	s9 =	sor.u32 $0xD0000000, s2;
	s6 =	simm.s32 $0x108;
	_ =	swait.ge @!p0 [sflag:s8], $0x0  }
0x24: {  	s3 =	sadd.s32 $0x88, s3;
	s6 =	simm.s32 @!p1 $0x1082;
	[sflag:s4] =	ssyncset.s32 $0xFFFFF086  }
0x25: {  	[simem:s6], [sflag:s4] =	dma.local [hbm:s3], $0xF7A  }
0x26: {  	[smem:$0x3F95] =	sst s1;
	(tag) =	ssettag s2;
	_ =	strace s9  }
0x27: {  	s1 =	sld [smem:$0x3FA5]  }
0x28: {  	s2 =	sld [smem:$0x3FA6]  }
0x29: {  	s4 =	sld [smem:$0x3FA8]  }
0x2a: {  	p0 =	seq.s32 s5, $0x0;
	s5 =	sld [smem:$0x3FA9]  }
0x2b: {  	s6 =	sld [smem:$0x3FAA]  }
0x2c: {  	s7 =	sld [smem:$0x3FAB]  }
0x2d: {  	s3 =	simm.s32 $0x108;
	s8 =	sld [smem:$0x3FAC]  }
0x2e: {  	s3 =	simm.s32 @!p0 $0x1082;
	s9 =	sld [smem:$0x3FAD]  }
0x2f: {  	lr =	sadd.s32 s0, s3;
	s0 =	sld [smem:$0x3FA4]  }
0x30: {  	s3 =	sld [smem:$0x3FA7]  }
0x31: {  	[smem:$0x3FB0] =	sst s10  }
0x32: {  	s10 =	sld [smem:$0x3FAE];
	_ =	sdelay $0x3  }
0x33: {  	p0 =	seq.s32 s10, $0x1;
	s10 =	sld [smem:$0x3FB0];
	_ =	sdelay $0x3  }
0x34: {  	[smem:$0x3FB0] =	sst s10  }
0x35: {  	s10 =	sld [smem:$0x3FAF];
	_ =	sdelay $0x3  }
0x36: {  	p1 =	seq.s32 s10, $0x1;
	s10 =	sld [smem:$0x3FB0];
	_ =	sdelay $0x3  }
0x37: {  	[smem:$0x3FB0] =	sst s10  }
0x38: {  	s10 =	sld [smem:$0x3FB1]  }
0x39: {  	_ = 	snop;
	(pc) =	sbr.ind lr, $3  }
0x3a: {  	_ = 	snop  }
0x3b: {  	_ = 	snop  }
0x3c: {  	p2 =	seq.s32 s10, $0x1;
	s10 =	sld [smem:$0x3FB0]  }
0x3d: {  	_ =	shalt  }
0x3e: {  	_ =	shalt  }
0x3f: {  	_ =	shalt  }
0x40: {  	_ =	shalt  }
0x41: {  	_ =	shalt  }
0x42: {  	_ =	shalt  }
0x43: {  	_ =	shalt  }
0x44: {  	_ =	shalt  }
0x45: {  	_ =	shalt  }
0x46: {  	_ =	shalt  }
0x47: {  	_ =	shalt  }
0x48: {  	_ =	shalt  }
0x49: {  	_ =	shalt  }
0x4a: {  	_ =	shalt  }
0x4b: {  	_ =	shalt  }
0x4c: {  	_ =	shalt  }
0x4d: {  	_ =	shalt  }
0x4e: {  	_ =	shalt  }
0x4f: {  	_ =	shalt  }
0x50: {  	_ =	shalt  }
0x51: {  	_ =	shalt  }
0x52: {  	_ =	shalt  }
0x53: {  	_ =	shalt  }
0x54: {  	_ =	shalt  }
0x55: {  	_ =	shalt  }
0x56: {  	_ =	shalt  }
0x57: {  	_ =	shalt  }
0x58: {  	_ =	shalt  }
0x59: {  	_ =	shalt  }
0x5a: {  	_ =	shalt  }
0x5b: {  	_ =	shalt  }
0x5c: {  	_ =	shalt  }
0x5d: {  	_ =	shalt  }
0x5e: {  	_ =	shalt  }
0x5f: {  	_ =	shalt  }
0x60: {  	_ =	shalt  }
0x61: {  	_ =	shalt  }
0x62: {  	_ =	shalt  }
0x63: {  	_ =	shalt  }
0x64: {  	_ =	shalt  }
0x65: {  	_ =	shalt  }
0x66: {  	_ =	shalt  }
0x67: {  	_ =	shalt  }
0x68: {  	_ =	shalt  }
0x69: {  	_ =	shalt  }
0x6a: {  	_ =	shalt  }
0x6b: {  	_ =	shalt  }
0x6c: {  	_ =	shalt  }
0x6d: {  	_ =	shalt  }
0x6e: {  	_ =	shalt  }
0x6f: {  	_ =	shalt  }
0x70: {  	_ =	shalt  }
0x71: {  	_ =	shalt  }
0x72: {  	_ =	shalt  }
0x73: {  	_ =	shalt  }
0x74: {  	_ =	shalt  }
0x75: {  	_ =	shalt  }
0x76: {  	_ =	shalt  }
0x77: {  	_ =	shalt  }
0x78: {  	_ =	shalt  }
0x79: {  	_ =	shalt  }
0x7a: {  	_ =	shalt  }
0x7b: {  	_ =	shalt  }
0x7c: {  	_ =	shalt  }
0x7d: {  	_ =	shalt  }
0x7e: {  	_ =	shalt  }
0x7f: {  	_ =	shalt  }
0x80: {  	_ =	shalt  }
0x81: {  	_ =	shalt  }
0x82: {  	_ =	shalt  }
0x83: {  	_ =	shalt  }
0x84: {  	_ =	shalt  }
0x85: {  	_ =	shalt  }
0x86: {  	_ =	shalt  }
0x87: {  	_ =	shalt  }
.Lfunc_end0:
.L_simem_size_0:
called_computation.2_lowered:
.L_overlay_start_0:
0x88: {  	s2 =	sld [smem:$0x3FD9]  }
0x89: {  	s3 =	sld [smem:$0x3FFE];
	_ =	sdelay $0x1  }
0x8a: {  	s1 =	srdreg.scid  }
0x8b: {  	s0 =	sand.u32 $0x1, s1  }
0x8c: {  	s17 =	sshll.u32 s0, $0xA;
	s2 =	sadd.s32 s3, s2  }
0x8d: {  	s2 =	sadd.s32 s2, s17  }
0x8e: {  	[smem:$0x3FBC] =	sst s2  }
0x8f: {  	_ = 	snop  }
0x90: {  	s2 =	sld [smem:$0x3FD0];
	(tm) =	ssettm $0x1  }
0x91: {  	s18 =	sld [smem:$0x3FFB];
	_ =	sdelay $0x3  }
0x92: {  	_ =	strace s18  }
0x93: {  	s3 =	sld [smem:$0x3FFC];
	_ =	sdelay $0x3  }
0x94: {  	_ =	strace s3  }
0x95: {  	s3 =	sld [smem:$0x3FFD];
	_ =	sdelay $0x3  }
0x96: {  	_ =	strace s3  }
0x97: {  	_ =	strace $0x8FFFFFFF  }
0x98: {  	s19 =	sld [smem:$0x3FDB];
	_ =	sdelay $0x1  }
0x99: {  	s4 =	simm.s32 $_scs_section_size  }
0x9a: {  	s5 =	simm.s32 $_size__tile_overlayer_lowered;
	s6 =	simm.s32 $_tile_overlayer_lowered  }
0x9b: {  	s22 =	simm.s32 $0x1BFF;
	s21 =	sshll.u32 s6, $0x1;
	s3 =	sadd.s32 s4, s19  }
0x9c: {  	s7 =	simm.s32 $0x0;
	s20 =	sshll.u32 s5, $0x1;
	s5 =	sadd.s32 s21, s3  }
0x9d: {  	[timem:s7], [sflag:s22] =	dma.local [hbm:s5], s20  }
0x9e: {  	_ =	swait.ge [sflag:s22], s20  }
0x9f: {  	s4 =	ssub.s32 $0x0, s20;
	[sflag:s22] =	ssyncset.done $0x0  }
0xa0: {  	[sflag:s22] =	ssyncadd.s32 s4;
	_ =	sdelay $0x1  }
0xa1: {  	s23 =	simm.s32 $0x1B8B  }
0xa2: {  	_ =	swait.ge [sflag:s23], $0x1  }
0xa3: {  	[sflag:s23] =	ssyncset.done $0x0  }
0xa4: {  	s25 =	simm.s32 $0x1B8E;
	s24 =	sld [smem:$0x3FFE];
	[sflag:s23] =	ssyncadd.s32 $0xFFFFFFFF  }
0xa5: {  	s26 =	simm.s32 $execute0_lowered;
	[smem:$0x3FD2] =	sst s25  }
0xa6: {  	s5 =	sshll.u32 s26, $0x1;
	_ =	strace $0x8000004C;
	[dreg:$0x1] =	wrdreg $0xFFFFFFFF  }
0xa7: {  	s28 =	simm.s32 $_size_execute0_lowered;
	s3 =	sadd.s32 s3, s5;
	[dreg:$0x0] =	wrdreg $0x0  }
0xa8: {  	s5 =	sshll.u32 s28, $0x1;
	[dreg:$0x2] =	wrdreg s3  }
0xa9: {  	[dreg:$0x3] =	wrdreg s5  }
0xaa: {  	[dreg:$0x4] =	wrdreg $0xC0  }
0xab: {  	_ =	task [dreg:s7], $0x5FFFF  }
0xac: {  	[dreg:$0x1] =	wrdreg $0xFFFFFFFF  }
0xad: {  	[dreg:$0x0] =	wrdreg $0x60  }
0xae: {  	[dreg:$0x2] =	wrdreg s24  }
0xaf: {  	[dreg:$0x3] =	wrdreg s2  }
0xb0: {  	[dreg:$0x4] =	wrdreg $0xA8000  }
0xb1: {  	[dreg:$0x5] =	wrdreg $0x9  }
0xb2: {  	_ =	task.clear_ibuf [dreg:s7], $0x6FFFF;
	_ =	strace $0x9000004C  }
0xb3: {  	s29 =	simm.s32 $0x9;
	_ =	strace $0x8000004E  }
0xb4: {  	_ =	swait.ge [sflag:s29], $0x1  }
0xb5: {  	[sflag:s29] =	ssyncadd.s32 $0xFFFFFFFF  }
0xb6: {  	_ =	strace $0x9000004E  }
0xb7: {  	_ =	sfence  }
0xb8: {  	s30 =	sld [smem:$0x0];
	_ =	sdelay $0x2  }
0xb9: {  	s31 =	sshll.u32 s1, $0xD;
	s1 =	sshrl.u32 s1, $0x2  }
0xba: {  	s3 =	sand.u32 $0x4000, s31;
	s1 =	sadd.s32 s1, s30  }
0xbb: {  	s0 =	sor.u32 s3, s0;
	s1 =	sshll.u32 s1, $0x11  }
0xbc: {  	s0 =	sor.u32 s1, s0  }
0xbd: {  	s0 =	sadd.s32 $0x8F2B, s0  }
0xbe: {  	[sflag:s0] =	ssyncadd.remote.s32 $0x1  }
0xbf: {  	_ =	sfence.sel $0xFFFF  }
0xc0: {  	[dreg:$0x0] =	wrdreg $0xFFFFFFFF;
	(pc) =	sbr.abs _section_cstart, $3  }
0xc1: {  	[dreg:$0x1] =	wrdreg $0xFFFFFFFF  }
0xc2: {  	_ =	task.clear_ibuf [dreg:s7], $0x2FFFF;
	_ =	strace $0x9FFFFFFF  }
0xc3: {  	(tm) =	ssettm $0x7FFFFFFF  }
tec
execute0_lowered:
.L_overlay_start_1:
0x0: {  	(tag) =	ssettag $0x1  }
0x1: {  	s5 =	rddreg [dreg:$0x0]  }
0x2: {  	s9 =	rddreg [dreg:$0x1]  }
0x3: {  	s2 =	rddreg [dreg:$0x2]  }
0x4: {  	s0 =	rddreg [dreg:$0x3]  }
0x5: {  	s1 =	stileid.u32;
	s4 =	srdreg.scid  }
0x6: {  	s3 =	simm.s32 $0x0;
	s16 =	simm.s32 $0x2;
	s17 =	simm.s32 $0x2780  }
0x7: {  	s18 =	simm.s32 $0x6800;
	s19 =	simm.s32 $0x80;
	s20 =	simm.s32 $0x0  }
0x8: {  	s6 =	smul.u32 $0x14000, s1;
	s7 =	sand.u32 $0x1, s4;
	[smem:$0x7FF] =	sst s3  }
0x9: {  	s4 =	sadd.s32 $0x34E00, s5;
	s11 =	sadd.s32 $0x2E00, s5;
	s12 =	smul.u32 $0x50000, s1  }
0xa: {  	s29 =	sshll.u32 s1, $0x6;
	s8 =	smul.u32 $0x140000, s7;
	_ =	strace $0x8000004D  }
0xb: {  	s24 =	ssub.s32 $0x2, s7;
	s7 =	sshll.u32 s7, $0x4;
	s10 =	sshrl.u32 s6, $0x3  }
0xc: {  	s25 =	sshrl.u32 s24, $0x1;
	s26 =	sor.u32 s1, s7;
	s28 =	sshrl.u32 s12, $0x2  }
0xd: {  	s6 =	sadd.s32 s6, s8;
	s23 =	sadd.s32 s10, s5;
	s7 =	smul.u32 $0x2800, s26  }
0xe: {  	s14 =	ssub.s32 s24, s25;
	s15 =	sadd.s32 s28, s2;
	s30 =	smul.u32 $0x500, s26  }
0xf: {  	s6 =	sshrl.u32 s6, $0x3;
	s12 =	smax.u32 s14, $0x1;
	s14 =	simm.s32 $0x3  }
0x10: {  	s13 =	sadd.s32 s6, s5;
	s5 =	sadd.s32 $0xCE00, s23;
	s31 =	sshrl.u32 s7, $0x3  }
0x11: {  	s6 =	sor.u32 $0x1C03, s29;
	s7 =	sadd.s32 s9, s30;
	s10 =	sadd.s32 $0x280, s31  }
0x12: {  	s8 =	sadd.s32 s11, s30;
	s9 =	sadd.s32 s9, s10;
	s10 =	sadd.s32 s11, s10  }
0x13: {  	s11 =	sadd.s32 $0x5CE00, s13;
	s13 =	sshrl.u32 s15, $0x3;
	s15 =	simm.s32 $0x2800  }
.LBB2_1:
0x14: {  	[spmem:s13], [sflag:s6] =	dma.local [hbm:s5], $0x2800  }
0x15: {  	_ =	swait.ge [sflag:s14], $0x2800  }
0x16: {  	[sflag:s14] =	ssyncset.done $0x0  }
0x17: {  	[sflag:s14] =	ssyncadd.s32 $0xFFFFD800  }
0x18: {  	[bflag:$0x0] =	sbarrier.arrive $0xFFFF  }
0x19: {  	[tilespmem:s3], [sflag:$0x3] =	stream.linear.gather [hbm4b:s7+s3], $0x1400, $0x38;
	[tilespmem:$0x1E800] =	vst v63  }
0x1a: {  	_ =	swait.ge [sflag:s14], $0x1400  }
0x1b: {  	[sflag:s14] =	ssyncset.done $0x0  }
0x1c: {  	s21 =	simm.s32 $0x1400;
	[sflag:s14] =	ssyncadd.s32 $0xFFFFEC00  }
0x1d: {  	[tilespmem:s21], [sflag:$0x3] =	stream.linear.gather [hbm4b:s8+s3], $0x1400, $0x38;
	[tilespmem:$0x1E800] =	vst v63  }
0x1e: {  	_ =	swait.ge [sflag:s14], $0x1400  }
0x1f: {  	s22 =	sand.u32 $0x1, s3;
	[sflag:s14] =	ssyncset.done $0x0  }
0x20: {  	p0 =	seq.s32 s22, $0x1;
	[sflag:s14] =	ssyncadd.s32 $0xFFFFEC00  }
0x21: {  	[tilespmem:s15], [sflag:$0x1] =	stream.indirect.gather [hbm4b:s4+s19], $0x80, s3, s19, $0xb8;
	[tilespmem:$0x1E800] =	vst v63  }
0x22: {  	s22 =	simm.s32 @p0 $0x80;
	s23 =	simm.s32 @p0 $0x2800;
	s24 =	simm.s32 @p0 $0x2  }
0x23: {  	[tilespmem:s23], [sflag:$0x1] =	stream.indirect.gather @p0 [hbm4b:s4+s22], $0x80, s19, s22, $0xb8;
	[tilespmem:$0x1E800] =	vst v63  }
0x24: {  	_ =	swait.ge @p0 [sflag:s24], $0x4000  }
0x25: {  	[sflag:s24] =	ssyncset.done @p0 $0x0  }
0x26: {  	s23 =	simm.s32 @p0 $0x6800;
	[sflag:s24] =	ssyncadd.s32 @p0 $0xFFFFC000  }
0x27: {  	[spmem:s2] =	stream.indirect.scatter.add.f32 @p0 [tilespmem:s23], [sflag:$0x3], $0x80, s21, s22, $0xb8;
	[tilespmem:$0x1E800] =	vst v63  }
0x28: {  	s25 =	simm.s32 @!p0 $0x1;
	s22 =	simm.s32 @!p0 $0x80;
	s23 =	simm.s32 @!p0 $0x6800  }
0x29: {  	[tilespmem:s23], [sflag:$0x2] =	stream.indirect.gather @!p0 [hbm4b:s4+s22], $0x80, s19, s22, $0xb8;
	[tilespmem:$0x1E800] =	vst v63  }
0x2a: {  	_ =	swait.ge @!p0 [sflag:s25], $0x4000  }
0x2b: {  	s26 =	simm.s32 $0x1;
	s24 =	simm.s32 @!p0 $0x4;
	[sflag:s25] =	ssyncset.done @!p0 $0x0  }
0x2c: {  	s24 =	simm.s32 @p0 $0x3;
	s23 =	simm.s32 @!p0 $0x2800;
	[sflag:s25] =	ssyncadd.s32 @!p0 $0xFFFFC000  }
0x2d: {  	[spmem:s2] =	stream.indirect.scatter.add.f32 @!p0 [tilespmem:s23], [sflag:$0x4], $0x80, s21, s22, $0xb8;
	[tilespmem:$0x1E800] =	vst v63  }
0x2e: {  	s25 =	sand.u32 $0x1, s26;
	s23 =	simm.s32 $0x2;
	_ =	swait.ge [sflag:s24], $0x4000  }
0x2f: {  	s22 =	simm.s32 $0x100;
	s21 =	simm.s32 $0x1480;
	[sflag:s24] =	ssyncset.done $0x0  }
.LBB2_2:
0x30: {  	p0 =	seq.s32 s25, $0x1  }
0x31: {  	[sflag:s24] =	ssyncadd.s32 $0xFFFFC000;
	s25 =	smov.u32 s23;
	s23 =	sadd.s32 $0x1, s23  }
0x32: {  	s26 =	simm.s32 @p0 $0x80;
	s24 =	simm.s32 @p0 $0x2800;
	s28 =	simm.s32 @p0 $0x2  }
0x33: {  	[tilespmem:s24], [sflag:$0x1] =	stream.indirect.gather @p0 [hbm4b:s4+s26], $0x80, s22, s26, $0xb8;
	[tilespmem:$0x1E800] =	vst v63  }
0x34: {  	p1 =	sne.s32 s23, $0x27;
	s24 =	simm.s32 @!p0 $0x4;
	_ =	swait.ge @p0 [sflag:s28], $0x4000  }
0x35: {  	[sflag:s28] =	ssyncset.done @p0 $0x0  }
0x36: {  	[sflag:s28] =	ssyncadd.s32 @p0 $0xFFFFC000;
	s28 =	simm.s32 @p0 $0x6800  }
0x37: {  	[spmem:s2] =	stream.indirect.scatter.add.f32 @p0 [tilespmem:s28], [sflag:$0x3], $0x80, s21, s26, $0xb8;
	[tilespmem:$0x1E800] =	vst v63  }
0x38: {  	s29 =	simm.s32 @!p0 $0x1;
	s26 =	simm.s32 @!p0 $0x80;
	s28 =	simm.s32 @!p0 $0x6800  }
0x39: {  	[tilespmem:s28], [sflag:$0x2] =	stream.indirect.gather @!p0 [hbm4b:s4+s26], $0x80, s22, s26, $0xb8;
	[tilespmem:$0x1E800] =	vst v63  }
0x3a: {  	_ =	swait.ge @!p0 [sflag:s29], $0x4000  }
.Ltmp0:
0x3b: {  	[sflag:s29] =	ssyncset.done @!p0 $0x0;
	(pc) =	sbr.rel @p1 .LBB2_2-.Ltmp0, $4  }
0x3c: {  	s24 =	simm.s32 @p0 $0x3;
	s28 =	simm.s32 @!p0 $0x2800;
	[sflag:s29] =	ssyncadd.s32 @!p0 $0xFFFFC000  }
0x3d: {  	[spmem:s2] =	stream.indirect.scatter.add.f32 @!p0 [tilespmem:s28], [sflag:$0x4], $0x80, s21, s26, $0xb8;
	[tilespmem:$0x1E800] =	vst v63  }
0x3e: {  	s22 =	sadd.s32 $0x80, s22;
	_ =	swait.ge [sflag:s24], $0x4000  }
0x3f: {  	s25 =	sand.u32 $0x1, s25;
	s21 =	sadd.s32 $0x80, s21;
	[sflag:s24] =	ssyncset.done $0x0  }
0x40: {  	p0 =	seq.s32 s25, $0x1;
	[sflag:s24] =	ssyncadd.s32 $0xFFFFC000  }
0x41: {  	s23 =	simm.s32 @p0 $0x80;
	s24 =	simm.s32 @p0 $0x2800;
	s25 =	simm.s32 @p0 $0x2  }
0x42: {  	[tilespmem:s24], [sflag:$0x1] =	stream.indirect.gather @p0 [hbm4b:s4+s23], $0x80, s22, s23, $0xb8;
	[tilespmem:$0x1E800] =	vst v63  }
0x43: {  	_ =	swait.ge @p0 [sflag:s25], $0x4000  }
0x44: {  	[sflag:s25] =	ssyncset.done @p0 $0x0  }
0x45: {  	s24 =	simm.s32 @p0 $0x6800;
	[sflag:s25] =	ssyncadd.s32 @p0 $0xFFFFC000  }
0x46: {  	[spmem:s2] =	stream.indirect.scatter.add.f32 @p0 [tilespmem:s24], [sflag:$0x3], $0x80, s21, s23, $0xb8;
	[tilespmem:$0x1E800] =	vst v63  }
0x47: {  	s25 =	simm.s32 @!p0 $0x1;
	s23 =	simm.s32 @!p0 $0x80;
	s24 =	simm.s32 @!p0 $0x6800  }
0x48: {  	[tilespmem:s24], [sflag:$0x2] =	stream.indirect.gather @!p0 [hbm4b:s4+s23], $0x80, s22, s23, $0xb8;
	[tilespmem:$0x1E800] =	vst v63  }
0x49: {  	_ =	swait.ge @!p0 [sflag:s25], $0x4000  }
0x4a: {  	s22 =	simm.s32 @!p0 $0x4;
	[sflag:s25] =	ssyncset.done @!p0 $0x0  }
0x4b: {  	s24 =	simm.s32 @!p0 $0x2800;
	s22 =	simm.s32 @p0 $0x3;
	[sflag:s25] =	ssyncadd.s32 @!p0 $0xFFFFC000  }
0x4c: {  	[spmem:s2] =	stream.indirect.scatter.add.f32 @!p0 [tilespmem:s24], [sflag:$0x4], $0x80, s21, s23, $0xb8;
	[tilespmem:$0x1E800] =	vst v63  }
0x4d: {  	_ =	swait.ge [sflag:s22], $0x4000  }
0x4e: {  	[sflag:s22] =	ssyncset.done $0x0  }
0x4f: {  	[sflag:s22] =	ssyncadd.s32 $0xFFFFC000  }
0x50: {  	_ =	swait.ge [sflag:s16], $0x4000  }
0x51: {  	[sflag:s16] =	ssyncset.done $0x0  }
0x52: {  	s21 =	simm.s32 $0x80;
	[sflag:s16] =	ssyncadd.s32 $0xFFFFC000  }
0x53: {  	[spmem:s2] =	stream.indirect.scatter.add.f32 [tilespmem:s18], [sflag:$0x3], $0x80, s17, s21, $0xb8;
	[tilespmem:$0x1E800] =	vst v63  }
0x54: {  	_ =	swait.ge [sflag:s14], $0x4000  }
0x55: {  	[sflag:s14] =	ssyncset.done $0x0  }
0x56: {  	s30 =	simm.s32 $0x0;
	[sflag:s14] =	ssyncadd.s32 $0xFFFFC000  }
0x57: {  	[tilespmem:s30], [sflag:$0x3] =	stream.linear.gather [hbm4b:s9+s30], $0x1400, $0x38;
	[tilespmem:$0x1E800] =	vst v63  }
0x58: {  	_ =	swait.ge [sflag:s14], $0x1400  }
0x59: {  	[sflag:s14] =	ssyncset.done $0x0  }
0x5a: {  	s23 =	simm.s32 $0x1400;
	[sflag:s14] =	ssyncadd.s32 $0xFFFFEC00  }
0x5b: {  	[tilespmem:s23], [sflag:$0x3] =	stream.linear.gather [hbm4b:s10+s30], $0x1400, $0x38;
	[tilespmem:$0x1E800] =	vst v63  }
0x5c: {  	_ =	swait.ge [sflag:s14], $0x1400  }
0x5d: {  	s22 =	sand.u32 $0x1, s30;
	[sflag:s14] =	ssyncset.done $0x0  }
0x5e: {  	p0 =	seq.s32 s22, $0x1;
	[sflag:s14] =	ssyncadd.s32 $0xFFFFEC00  }
0x5f: {  	[tilespmem:s15], [sflag:$0x1] =	stream.indirect.gather [hbm4b:s4+s21], $0x80, s30, s21, $0xb8;
	[tilespmem:$0x1E800] =	vst v63  }
0x60: {  	s22 =	simm.s32 @p0 $0x80;
	s24 =	simm.s32 @p0 $0x2800;
	s25 =	simm.s32 @p0 $0x2  }
0x61: {  	[tilespmem:s24], [sflag:$0x1] =	stream.indirect.gather @p0 [hbm4b:s4+s22], $0x80, s21, s22, $0xb8;
	[tilespmem:$0x1E800] =	vst v63  }
0x62: {  	_ =	swait.ge @p0 [sflag:s25], $0x4000  }
0x63: {  	[sflag:s25] =	ssyncset.done @p0 $0x0  }
0x64: {  	s24 =	simm.s32 @p0 $0x6800;
	[sflag:s25] =	ssyncadd.s32 @p0 $0xFFFFC000  }
0x65: {  	[spmem:s2] =	stream.indirect.scatter.add.f32 @p0 [tilespmem:s24], [sflag:$0x3], $0x80, s23, s22, $0xb8;
	[tilespmem:$0x1E800] =	vst v63  }
0x66: {  	s25 =	simm.s32 @!p0 $0x1;
	s22 =	simm.s32 @!p0 $0x80;
	s24 =	simm.s32 @!p0 $0x6800  }
0x67: {  	[tilespmem:s24], [sflag:$0x2] =	stream.indirect.gather @!p0 [hbm4b:s4+s22], $0x80, s21, s22, $0xb8;
	[tilespmem:$0x1E800] =	vst v63  }
0x68: {  	_ =	swait.ge @!p0 [sflag:s25], $0x4000  }
0x69: {  	s31 =	simm.s32 $0x1;
	s24 =	simm.s32 @!p0 $0x4;
	[sflag:s25] =	ssyncset.done @!p0 $0x0  }
0x6a: {  	s24 =	simm.s32 @p0 $0x3;
	[sflag:s25] =	ssyncadd.s32 @!p0 $0xFFFFC000;
	s25 =	simm.s32 @!p0 $0x2800  }
0x6b: {  	[spmem:s2] =	stream.indirect.scatter.add.f32 @!p0 [tilespmem:s25], [sflag:$0x4], $0x80, s23, s22, $0xb8;
	[tilespmem:$0x1E800] =	vst v63  }
0x6c: {  	s21 =	simm.s32 $0x1480;
	s23 =	simm.s32 $0x2;
	_ =	swait.ge [sflag:s24], $0x4000  }
0x6d: {  	s22 =	simm.s32 $0x100;
	s25 =	sand.u32 $0x1, s31;
	[sflag:s24] =	ssyncset.done $0x0  }
.LBB2_4:
0x6e: {  	p0 =	seq.s32 s25, $0x1  }
0x6f: {  	[sflag:s24] =	ssyncadd.s32 $0xFFFFC000;
	s25 =	smov.u32 s23;
	s23 =	sadd.s32 $0x1, s23  }
0x70: {  	s26 =	simm.s32 @p0 $0x80;
	s24 =	simm.s32 @p0 $0x2800;
	s28 =	simm.s32 @p0 $0x2  }
0x71: {  	[tilespmem:s24], [sflag:$0x1] =	stream.indirect.gather @p0 [hbm4b:s4+s26], $0x80, s22, s26, $0xb8;
	[tilespmem:$0x1E800] =	vst v63  }
0x72: {  	p1 =	sne.s32 s23, $0x27;
	s24 =	simm.s32 @!p0 $0x4;
	_ =	swait.ge @p0 [sflag:s28], $0x4000  }
0x73: {  	[sflag:s28] =	ssyncset.done @p0 $0x0  }
0x74: {  	[sflag:s28] =	ssyncadd.s32 @p0 $0xFFFFC000;
	s28 =	simm.s32 @p0 $0x6800  }
0x75: {  	[spmem:s2] =	stream.indirect.scatter.add.f32 @p0 [tilespmem:s28], [sflag:$0x3], $0x80, s21, s26, $0xb8;
	[tilespmem:$0x1E800] =	vst v63  }
0x76: {  	s29 =	simm.s32 @!p0 $0x1;
	s26 =	simm.s32 @!p0 $0x80;
	s28 =	simm.s32 @!p0 $0x6800  }
0x77: {  	[tilespmem:s28], [sflag:$0x2] =	stream.indirect.gather @!p0 [hbm4b:s4+s26], $0x80, s22, s26, $0xb8;
	[tilespmem:$0x1E800] =	vst v63  }
0x78: {  	_ =	swait.ge @!p0 [sflag:s29], $0x4000  }
.Ltmp1:
0x79: {  	[sflag:s29] =	ssyncset.done @!p0 $0x0;
	(pc) =	sbr.rel @p1 .LBB2_4-.Ltmp1, $4  }
0x7a: {  	s24 =	simm.s32 @p0 $0x3;
	s28 =	simm.s32 @!p0 $0x2800;
	[sflag:s29] =	ssyncadd.s32 @!p0 $0xFFFFC000  }
0x7b: {  	[spmem:s2] =	stream.indirect.scatter.add.f32 @!p0 [tilespmem:s28], [sflag:$0x4], $0x80, s21, s26, $0xb8;
	[tilespmem:$0x1E800] =	vst v63  }
0x7c: {  	s22 =	sadd.s32 $0x80, s22;
	_ =	swait.ge [sflag:s24], $0x4000  }
0x7d: {  	s25 =	sand.u32 $0x1, s25;
	s21 =	sadd.s32 $0x80, s21;
	[sflag:s24] =	ssyncset.done $0x0  }
0x7e: {  	p0 =	seq.s32 s25, $0x1;
	[sflag:s24] =	ssyncadd.s32 $0xFFFFC000  }
0x7f: {  	s23 =	simm.s32 @p0 $0x80;
	s24 =	simm.s32 @p0 $0x2800;
	s25 =	simm.s32 @p0 $0x2  }
0x80: {  	[tilespmem:s24], [sflag:$0x1] =	stream.indirect.gather @p0 [hbm4b:s4+s23], $0x80, s22, s23, $0xb8;
	[tilespmem:$0x1E800] =	vst v63  }
0x81: {  	_ =	swait.ge @p0 [sflag:s25], $0x4000  }
0x82: {  	[sflag:s25] =	ssyncset.done @p0 $0x0  }
0x83: {  	s24 =	simm.s32 @p0 $0x6800;
	[sflag:s25] =	ssyncadd.s32 @p0 $0xFFFFC000  }
0x84: {  	[spmem:s2] =	stream.indirect.scatter.add.f32 @p0 [tilespmem:s24], [sflag:$0x3], $0x80, s21, s23, $0xb8;
	[tilespmem:$0x1E800] =	vst v63  }
0x85: {  	s25 =	simm.s32 @!p0 $0x1;
	s23 =	simm.s32 @!p0 $0x80;
	s24 =	simm.s32 @!p0 $0x6800  }
0x86: {  	[tilespmem:s24], [sflag:$0x2] =	stream.indirect.gather @!p0 [hbm4b:s4+s23], $0x80, s22, s23, $0xb8;
	[tilespmem:$0x1E800] =	vst v63  }
0x87: {  	_ =	swait.ge @!p0 [sflag:s25], $0x4000  }
0x88: {  	s22 =	simm.s32 @!p0 $0x4;
	[sflag:s25] =	ssyncset.done @!p0 $0x0  }
0x89: {  	s24 =	simm.s32 @!p0 $0x2800;
	s22 =	simm.s32 @p0 $0x3;
	[sflag:s25] =	ssyncadd.s32 @!p0 $0xFFFFC000  }
0x8a: {  	[spmem:s2] =	stream.indirect.scatter.add.f32 @!p0 [tilespmem:s24], [sflag:$0x4], $0x80, s21, s23, $0xb8;
	[tilespmem:$0x1E800] =	vst v63  }
0x8b: {  	_ =	swait.ge [sflag:s22], $0x4000  }
0x8c: {  	[sflag:s22] =	ssyncset.done $0x0  }
0x8d: {  	[sflag:s22] =	ssyncadd.s32 $0xFFFFC000  }
0x8e: {  	_ =	swait.ge [sflag:s16], $0x4000  }
0x8f: {  	[sflag:s16] =	ssyncset.done $0x0  }
0x90: {  	[sflag:s16] =	ssyncadd.s32 $0xFFFFC000  }
0x91: {  	[spmem:s2] =	stream.indirect.scatter.add.f32 [tilespmem:s18], [sflag:$0x3], $0x80, s17, s19, $0xb8;
	[tilespmem:$0x1E800] =	vst v63  }
0x92: {  	_ =	swait.ge [sflag:s14], $0x4000  }
0x93: {  	s20 =	sadd.s32 $0x1, s20;
	[sflag:s14] =	ssyncset.done $0x0  }
0x94: {  	p0 =	sne.s32 s20, s12;
	[sflag:s14] =	ssyncadd.s32 $0xFFFFC000  }
.Ltmp2:
0x95: {  	[bflag:$0x0] =	sbarrier.arrive $0xFFFF;
	(pc) =	sbr.rel @p0 .LBB2_1-.Ltmp2, $4  }
0x96: {  	[hbm:s11], [sflag:s6] =	dma.local [spmem:s13], $0x2800  }
0x97: {  	_ =	swait.ge [sflag:s14], $0x2800  }
0x98: {  	[sflag:s14] =	ssyncset.done $0x0  }
0x99: {  	[sflag:s14] =	ssyncadd.s32 $0xFFFFD800  }
0x9a: {  	_ =	sfence.sel $0x180000  }
0x9b: {  	[bflag:$0x0] =	sbarrier.arrive $0xFFFF  }
0x9c: {  	p0 =	sne.s32 s1, $0x0;
	_ =	strace $0x9000004D  }
0x9d: {  	s0 =	sadd.s32 @!p0 $0x100000, s0;
	[bflag:$0x2] =	sbarrier.arrive $0xFFFF  }
0x9e: {  	[sflag:s0] =	ssyncadd.tile.s32 @!p0 $0x1;
	_ =	shalt  }
.Lfunc_end2:
_tile_overlayer_lowered:
.L_overlay_start_2:
0x9f: {  	(tag) =	ssettag $0x2  }
0xa0: {  	s0 =	rddreg [dreg:$0x0];
	s2 =	stileid.u32  }
0xa1: {  	s1 =	rddreg [dreg:$0x1];
	p0 =	sne.s32 s2, $0x0  }
0xa2: {  	s3 =	rddreg [dreg:$0x2];
	[bflag:$0x3] =	sbarrier.arrive $0xFFFF;
	s2 =	simm.s32 @!p0 $0x1C03  }
0xa3: {  	[timem:s3], [sflag:s2] =	dma.local @!p0 [hbm:s0], s1  }
0xa4: {  	s0 =	simm.s32 @!p0 $0x3  }
0xa5: {  	_ =	swait.ge @!p0 [sflag:s0], s1  }
0xa6: {  	s1 =	ssub.s32 @!p0 $0x0, s1;
	[sflag:s0] =	ssyncset.done @!p0 $0x0  }
0xa7: {  	[sflag:s0] =	ssyncadd.s32 @!p0 s1  }
0xa8: {  	[bflag:$0x3] =	sbarrier.arrive $0xFFFF  }
0xa9: {  	_ =	shalt  }

// kernel: kernel.8.cloned.1.call-start
scs
__scs_entry_jumppad:
0x0: {  	(pc) =	sbr.rel $0x88, $3  }
0x1: {  	(tag) =	ssettag $0x0;
	lr =	simm.s32 $0x1  }
0x2: {  	[smem:$0x3F95] =	sst lr;
	_ =	strace $0xD0000000  }
0x3: {  	_ = 	snop  }
0x4: {  	_ = 	snop  }
0x5: {  	_ = 	snop  }
0x6: {  	_ = 	snop  }
0x7: {  	_ = 	snop  }
__scs_overlays_trampoline_lowered:
0x8: {  	[smem:$0x3FA4] =	sst s0  }
0x9: {  	[smem:$0x3FA5] =	sst s1  }
0xa: {  	[smem:$0x3FA6] =	sst s2  }
0xb: {  	[smem:$0x3FA7] =	sst s3  }
0xc: {  	[smem:$0x3FA8] =	sst s4  }
0xd: {  	[smem:$0x3FA9] =	sst s5  }
0xe: {  	[smem:$0x3FAA] =	sst s6  }
0xf: {  	[smem:$0x3FAB] =	sst s7  }
0x10: {  	[smem:$0x3FAC] =	sst s8  }
0x11: {  	[smem:$0x3FAD] =	sst s9;
	s0 =	simm.s32 @!p0 $0x0  }
0x12: {  	s1 =	sld [smem:$0x3F93];
	s0 =	simm.s32 @p0 $0x1  }
0x13: {  	[smem:$0x3FAE] =	sst s0;
	s0 =	simm.s32 @!p1 $0x0  }
0x14: {  	s2 =	sld [smem:$0x3F92];
	s0 =	simm.s32 @p1 $0x1  }
0x15: {  	[smem:$0x3FAF] =	sst s0;
	s0 =	simm.s32 @!p2 $0x0  }
0x16: {  	s3 =	sld [smem:$0x3FDB];
	s0 =	simm.s32 @p2 $0x1  }
0x17: {  	s4 =	simm.s32 $0x1BF5;
	[smem:$0x3FB1] =	sst s0  }
0x18: {  	s0 =	sld [smem:$0x3F94];
	_ =	swait.ge [sflag:s4], $0x0  }
0x19: {  	s7 =	sld [smem:$0x3F95]  }
0x1a: {  	s8 =	sadd.s32 $0xFFFFE003, lr  }
0x1b: {  	s9 =	sadd.s32 $0xFFFFFEF7, lr;
	s5 =	simm.s32 $0xFFFFFFFF;
	p2 =	slt.u32 s8, $0xFFFFF086  }
0x1c: {  	p1 =	slt.u32 s9, $0xF7A;
	s5 =	simm.s32 @!p2 $0x0  }
0x1d: {  	s5 =	simm.s32 @p1 $0x1;
	p0 =	seq.s32 s7, s2  }
0x1e: {  	s7 =	smul.u32 @!p0 $0xF7A, s2;
	p2 =	seq.s32 @!p0 s5, $0x0  }
0x1f: {  	s9 =	smul.u32 $0xF7A, s1;
	s8 =	simm.s32 @!p0 $0x1BF5;
	p2 =	por !p2, p0  }
0x20: {  	[sflag:s8] =	ssyncset.s32 @!p0 $0xFFFFF086;
	s6 =	sadd.s32 @!p0 s3, s7;
	s7 =	simm.s32 @!p0 $0x108  }
0x21: {  	s3 =	sadd.s32 s3, s9;
	s6 =	sadd.s32 @!p0 $0x88, s6;
	s7 =	simm.s32 @p2 $0x1082  }
0x22: {  	[simem:s7], [sflag:s8] =	dma.local @!p0 [hbm:s6], $0xF7A  }
0x23: {  	s9 =	sor.u32 $0xD0000000, s2;
	s6 =	simm.s32 $0x108;
	_ =	swait.ge @!p0 [sflag:s8], $0x0  }
0x24: {  	s3 =	sadd.s32 $0x88, s3;
	s6 =	simm.s32 @!p1 $0x1082;
	[sflag:s4] =	ssyncset.s32 $0xFFFFF086  }
0x25: {  	[simem:s6], [sflag:s4] =	dma.local [hbm:s3], $0xF7A  }
0x26: {  	[smem:$0x3F95] =	sst s1;
	(tag) =	ssettag s2;
	_ =	strace s9  }
0x27: {  	s1 =	sld [smem:$0x3FA5]  }
0x28: {  	s2 =	sld [smem:$0x3FA6]  }
0x29: {  	s4 =	sld [smem:$0x3FA8]  }
0x2a: {  	p0 =	seq.s32 s5, $0x0;
	s5 =	sld [smem:$0x3FA9]  }
0x2b: {  	s6 =	sld [smem:$0x3FAA]  }
0x2c: {  	s7 =	sld [smem:$0x3FAB]  }
0x2d: {  	s3 =	simm.s32 $0x108;
	s8 =	sld [smem:$0x3FAC]  }
0x2e: {  	s3 =	simm.s32 @!p0 $0x1082;
	s9 =	sld [smem:$0x3FAD]  }
0x2f: {  	lr =	sadd.s32 s0, s3;
	s0 =	sld [smem:$0x3FA4]  }
0x30: {  	s3 =	sld [smem:$0x3FA7]  }
0x31: {  	[smem:$0x3FB0] =	sst s10  }
0x32: {  	s10 =	sld [smem:$0x3FAE];
	_ =	sdelay $0x3  }
0x33: {  	p0 =	seq.s32 s10, $0x1;
	s10 =	sld [smem:$0x3FB0];
	_ =	sdelay $0x3  }
0x34: {  	[smem:$0x3FB0] =	sst s10  }
0x35: {  	s10 =	sld [smem:$0x3FAF];
	_ =	sdelay $0x3  }
0x36: {  	p1 =	seq.s32 s10, $0x1;
	s10 =	sld [smem:$0x3FB0];
	_ =	sdelay $0x3  }
0x37: {  	[smem:$0x3FB0] =	sst s10  }
0x38: {  	s10 =	sld [smem:$0x3FB1]  }
0x39: {  	_ = 	snop;
	(pc) =	sbr.ind lr, $3  }
0x3a: {  	_ = 	snop  }
0x3b: {  	_ = 	snop  }
0x3c: {  	p2 =	seq.s32 s10, $0x1;
	s10 =	sld [smem:$0x3FB0]  }
0x3d: {  	_ =	shalt  }
0x3e: {  	_ =	shalt  }
0x3f: {  	_ =	shalt  }
0x40: {  	_ =	shalt  }
0x41: {  	_ =	shalt  }
0x42: {  	_ =	shalt  }
0x43: {  	_ =	shalt  }
0x44: {  	_ =	shalt  }
0x45: {  	_ =	shalt  }
0x46: {  	_ =	shalt  }
0x47: {  	_ =	shalt  }
0x48: {  	_ =	shalt  }
0x49: {  	_ =	shalt  }
0x4a: {  	_ =	shalt  }
0x4b: {  	_ =	shalt  }
0x4c: {  	_ =	shalt  }
0x4d: {  	_ =	shalt  }
0x4e: {  	_ =	shalt  }
0x4f: {  	_ =	shalt  }
0x50: {  	_ =	shalt  }
0x51: {  	_ =	shalt  }
0x52: {  	_ =	shalt  }
0x53: {  	_ =	shalt  }
0x54: {  	_ =	shalt  }
0x55: {  	_ =	shalt  }
0x56: {  	_ =	shalt  }
0x57: {  	_ =	shalt  }
0x58: {  	_ =	shalt  }
0x59: {  	_ =	shalt  }
0x5a: {  	_ =	shalt  }
0x5b: {  	_ =	shalt  }
0x5c: {  	_ =	shalt  }
0x5d: {  	_ =	shalt  }
0x5e: {  	_ =	shalt  }
0x5f: {  	_ =	shalt  }
0x60: {  	_ =	shalt  }
0x61: {  	_ =	shalt  }
0x62: {  	_ =	shalt  }
0x63: {  	_ =	shalt  }
0x64: {  	_ =	shalt  }
0x65: {  	_ =	shalt  }
0x66: {  	_ =	shalt  }
0x67: {  	_ =	shalt  }
0x68: {  	_ =	shalt  }
0x69: {  	_ =	shalt  }
0x6a: {  	_ =	shalt  }
0x6b: {  	_ =	shalt  }
0x6c: {  	_ =	shalt  }
0x6d: {  	_ =	shalt  }
0x6e: {  	_ =	shalt  }
0x6f: {  	_ =	shalt  }
0x70: {  	_ =	shalt  }
0x71: {  	_ =	shalt  }
0x72: {  	_ =	shalt  }
0x73: {  	_ =	shalt  }
0x74: {  	_ =	shalt  }
0x75: {  	_ =	shalt  }
0x76: {  	_ =	shalt  }
0x77: {  	_ =	shalt  }
0x78: {  	_ =	shalt  }
0x79: {  	_ =	shalt  }
0x7a: {  	_ =	shalt  }
0x7b: {  	_ =	shalt  }
0x7c: {  	_ =	shalt  }
0x7d: {  	_ =	shalt  }
0x7e: {  	_ =	shalt  }
0x7f: {  	_ =	shalt  }
0x80: {  	_ =	shalt  }
0x81: {  	_ =	shalt  }
0x82: {  	_ =	shalt  }
0x83: {  	_ =	shalt  }
0x84: {  	_ =	shalt  }
0x85: {  	_ =	shalt  }
0x86: {  	_ =	shalt  }
0x87: {  	_ =	shalt  }
.Lfunc_end0:
.L_simem_size_0:
called_computation_lowered:
.L_overlay_start_0:
0x88: {  	s2 =	sld [smem:$0x3FD9]  }
0x89: {  	s3 =	sld [smem:$0x3FFE];
	_ =	sdelay $0x1  }
0x8a: {  	s1 =	srdreg.scid  }
0x8b: {  	s0 =	sand.u32 $0x1, s1  }
0x8c: {  	s16 =	sshll.u32 s0, $0xA;
	s2 =	sadd.s32 s3, s2  }
0x8d: {  	s2 =	sadd.s32 s2, s16  }
0x8e: {  	[smem:$0x3FBC] =	sst s2  }
0x8f: {  	_ = 	snop  }
0x90: {  	(tm) =	ssettm $0x1  }
0x91: {  	s17 =	sld [smem:$0x3FFB];
	_ =	sdelay $0x3  }
0x92: {  	_ =	strace s17  }
0x93: {  	s2 =	sld [smem:$0x3FFC];
	_ =	sdelay $0x3  }
0x94: {  	_ =	strace s2  }
0x95: {  	s2 =	sld [smem:$0x3FFD];
	_ =	sdelay $0x3  }
0x96: {  	_ =	strace s2  }
0x97: {  	_ =	strace $0x8FFFFFFF  }
0x98: {  	s18 =	sld [smem:$0x3FDB];
	_ =	sdelay $0x1  }
0x99: {  	s19 =	simm.s32 $_scs_section_size  }
0x9a: {  	s4 =	simm.s32 $_size__tile_overlayer_lowered;
	s5 =	simm.s32 $_tile_overlayer_lowered  }
0x9b: {  	s22 =	simm.s32 $0x1BFF;
	s21 =	sshll.u32 s5, $0x1;
	s2 =	sadd.s32 s19, s18  }
0x9c: {  	s6 =	simm.s32 $0x0;
	s20 =	sshll.u32 s4, $0x1;
	s4 =	sadd.s32 s21, s2  }
0x9d: {  	[timem:s6], [sflag:s22] =	dma.local [hbm:s4], s20  }
0x9e: {  	_ =	swait.ge [sflag:s22], s20  }
0x9f: {  	s3 =	ssub.s32 $0x0, s20;
	[sflag:s22] =	ssyncset.done $0x0  }
0xa0: {  	[sflag:s22] =	ssyncadd.s32 s3;
	_ =	sdelay $0x1  }
0xa1: {  	s23 =	simm.s32 $0x1B8B  }
0xa2: {  	_ =	swait.ge [sflag:s23], $0x1  }
0xa3: {  	[sflag:s23] =	ssyncset.done $0x0  }
0xa4: {  	s25 =	simm.s32 $0x1B8E;
	s24 =	sld [smem:$0x3FFE];
	[sflag:s23] =	ssyncadd.s32 $0xFFFFFFFF  }
0xa5: {  	s26 =	simm.s32 $execute0_lowered;
	[smem:$0x3FD2] =	sst s25  }
0xa6: {  	s4 =	sshll.u32 s26, $0x1;
	_ =	strace $0x80000046;
	[dreg:$0x1] =	wrdreg $0xFFFFFFFF  }
0xa7: {  	s28 =	simm.s32 $_size_execute0_lowered;
	s2 =	sadd.s32 s2, s4;
	[dreg:$0x0] =	wrdreg $0x0  }
0xa8: {  	s4 =	sshll.u32 s28, $0x1;
	[dreg:$0x2] =	wrdreg s2  }
0xa9: {  	[dreg:$0x3] =	wrdreg s4  }
0xaa: {  	[dreg:$0x4] =	wrdreg $0xC0  }
0xab: {  	_ =	task [dreg:s6], $0x5FFFF  }
0xac: {  	[dreg:$0x1] =	wrdreg $0xFFFFFFFF  }
0xad: {  	[dreg:$0x0] =	wrdreg $0x60  }
0xae: {  	[dreg:$0x2] =	wrdreg s24  }
0xaf: {  	[dreg:$0x3] =	wrdreg $0x68000  }
0xb0: {  	[dreg:$0x4] =	wrdreg $0x9  }
0xb1: {  	_ =	task.clear_ibuf [dreg:s6], $0x5FFFF;
	_ =	strace $0x90000046  }
0xb2: {  	s29 =	simm.s32 $0x9;
	_ =	strace $0x80000048  }
0xb3: {  	_ =	swait.ge [sflag:s29], $0x1  }
0xb4: {  	[sflag:s29] =	ssyncadd.s32 $0xFFFFFFFF  }
0xb5: {  	_ =	strace $0x90000048  }
0xb6: {  	_ =	sfence  }
0xb7: {  	s30 =	sld [smem:$0x0];
	_ =	sdelay $0x2  }
0xb8: {  	s31 =	sshll.u32 s1, $0xD;
	s1 =	sshrl.u32 s1, $0x2  }
0xb9: {  	s3 =	sand.u32 $0x4000, s31;
	s1 =	sadd.s32 s1, s30  }
0xba: {  	s0 =	sor.u32 s3, s0;
	s1 =	sshll.u32 s1, $0x11  }
0xbb: {  	s0 =	sor.u32 s1, s0  }
0xbc: {  	s0 =	sadd.s32 $0x8F2B, s0  }
0xbd: {  	[sflag:s0] =	ssyncadd.remote.s32 $0x1  }
0xbe: {  	_ =	sfence.sel $0xFFFF  }
0xbf: {  	[dreg:$0x0] =	wrdreg $0xFFFFFFFF;
	(pc) =	sbr.abs _section_cstart, $3  }
0xc0: {  	[dreg:$0x1] =	wrdreg $0xFFFFFFFF  }
0xc1: {  	_ =	task.clear_ibuf [dreg:s6], $0x2FFFF;
	_ =	strace $0x9FFFFFFF  }
0xc2: {  	(tm) =	ssettm $0x7FFFFFFF  }
0xc3: {  	_ =	shalt  }
tec
execute0_lowered:
.L_overlay_start_1:
0x0: {  	(tag) =	ssettag $0x1  }
0x1: {  	s0 =	srdreg.scid;
	s5 =	rddreg [dreg:$0x0]  }
0x2: {  	s2 =	rddreg [dreg:$0x1];
	s4 =	sand.u32 $0x1, s0;
	s0 =	stileid.u32  }
0x3: {  	s3 =	simm.s32 $0x0;
	s13 =	simm.s32 $0x80;
	s7 =	smul.u32 $0x14000, s0  }
0x4: {  	s14 =	simm.s32 $0x0;
	[smem:$0x7FF] =	sst s3;
	s9 =	smul.u32 $0x140000, s4  }
0x5: {  	s1 =	sshll.u32 s4, $0x4;
	s30 =	ssub.s32 $0x2, s4;
	s10 =	smul.u32 $0x50000, s0  }
0x6: {  	s4 =	sadd.s32 $0x34E00, s5;
	s31 =	sshll.u32 s0, $0x6;
	s6 =	sor.u32 s0, s1  }
0x7: {  	s1 =	rddreg [dreg:$0x2];
	_ =	strace $0x80000047;
	s11 =	sshrl.u32 s30, $0x1  }
0x8: {  	s6 =	smul.u32 $0x500, s6;
	s8 =	sshrl.u32 s7, $0x3;
	s7 =	sadd.s32 s7, s9  }
0x9: {  	s9 =	ssub.s32 s30, s11;
	s10 =	sshrl.u32 s10, $0x2;
	s11 =	sor.u32 $0x1C01, s31  }
0xa: {  	s8 =	sadd.s32 s8, s5;
	s7 =	sshrl.u32 s7, $0x3;
	s12 =	sadd.s32 s10, s2  }
0xb: {  	s10 =	simm.s32 $0x1;
	s6 =	sadd.s32 s6, s5;
	s7 =	sadd.s32 s7, s5  }
0xc: {  	s12 =	sshrl.u32 s12, $0x3;
	s5 =	sadd.s32 $0x2E00, s6;
	s6 =	sadd.s32 $0xCE00, s8  }
0xd: {  	s7 =	sadd.s32 $0x35600, s7;
	s8 =	smax.u32 s9, $0x1;
	s9 =	simm.s32 $0x2800  }
.LBB2_1:
0xe: {  	[tilespmem:s9], [sflag:$0x1] =	stream.linear.gather [hbm4b:s4+s3], $0x4000, $0x38;
	[tilespmem:$0x1A800] =	vst v63  }
0xf: {  	_ =	swait.ge [sflag:s10], $0x4000  }
0x10: {  	[sflag:s10] =	ssyncset.done $0x0  }
0x11: {  	[sflag:s10] =	ssyncadd.s32 $0xFFFFC000  }
0x12: {  	[tilespmem:s3], [sflag:$0x1] =	stream.linear.gather [hbm4b:s5+s3], $0x2800, $0x38;
	[tilespmem:$0x1A800] =	vst v63  }
0x13: {  	_ =	swait.ge [sflag:s10], $0x2800  }
0x14: {  	[sflag:s10] =	ssyncset.done $0x0  }
0x15: {  	[sflag:s10] =	ssyncadd.s32 $0xFFFFD800  }
0x16: {  	[spmem:s12], [sflag:s11] =	dma.local [hbm:s6], $0x2800  }
0x17: {  	_ =	swait.ge [sflag:s10], $0x2800  }
0x18: {  	[sflag:s10] =	ssyncset.done $0x0  }
0x19: {  	[sflag:s10] =	ssyncadd.s32 $0xFFFFD800  }
0x1a: {  	s15 =	simm.s32 $0x0;
	[bflag:$0x0] =	sbarrier.arrive $0xFFFF  }
0x1b: {  	[spmem:s2] =	stream.indirect.scatter.add.f32 [tilespmem:s9], [sflag:$0x1], $0x80, s15, s13, $0xb8;
	[tilespmem:$0x1A800] =	vst v63  }
0x1c: {  	_ =	swait.ge [sflag:s10], $0x4000  }
0x1d: {  	s15 =	simm.s32 $0x200;
	[sflag:s10] =	ssyncset.done $0x0  }
.LBB2_2:
0x1e: {  	s16 =	sshra.s32 s15, $0x2;
	[sflag:s10] =	ssyncadd.s32 $0xFFFFC000;
	p0 =	sne.s32 s15, $0x9E00  }
0x1f: {  	[spmem:s2] =	stream.indirect.scatter.add.f32 [tilespmem:s9], [sflag:$0x1], $0x80, s16, s13, $0xb8;
	[tilespmem:$0x1A800] =	vst v63  }
.Ltmp0:
0x20: {  	_ = 	snop;
	(pc) =	sbr.rel @p0 .LBB2_2-.Ltmp0, $4  }
0x21: {  	_ = 	snop  }
0x22: {  	s15 =	sadd.s32 $0x200, s15  }
0x23: {  	_ =	swait.ge [sflag:s10], $0x4000  }
0x24: {  	[sflag:s10] =	ssyncset.done $0x0  }
0x25: {  	s14 =	sadd.s32 $0x1, s14  }
0x26: {  	[sflag:s10] =	ssyncadd.s32 $0xFFFFC000;
	p0 =	sne.s32 s14, s8  }
.Ltmp1:
0x27: {  	[bflag:$0x0] =	sbarrier.arrive $0xFFFF;
	(pc) =	sbr.rel @p0 .LBB2_1-.Ltmp1, $4  }
0x28: {  	[hbm:s7], [sflag:s11] =	dma.local [spmem:s12], $0x2800  }
0x29: {  	_ =	swait.ge [sflag:s10], $0x2800  }
0x2a: {  	[sflag:s10] =	ssyncset.done $0x0  }
0x2b: {  	[sflag:s10] =	ssyncadd.s32 $0xFFFFD800  }
0x2c: {  	_ =	sfence.sel $0x180000  }
0x2d: {  	[bflag:$0x0] =	sbarrier.arrive $0xFFFF  }
0x2e: {  	p0 =	sne.s32 s0, $0x0;
	_ =	strace $0x90000047  }
0x2f: {  	s0 =	sadd.s32 @!p0 $0x100000, s1;
	[bflag:$0x2] =	sbarrier.arrive $0xFFFF  }
0x30: {  	[sflag:s0] =	ssyncadd.tile.s32 @!p0 $0x1;
	_ =	shalt  }
.Lfunc_end2:
_tile_overlayer_lowered:
.L_overlay_start_2:
0x31: {  	(tag) =	ssettag $0x2  }
0x32: {  	s0 =	rddreg [dreg:$0x0];
	s2 =	stileid.u32  }
0x33: {  	s1 =	rddreg [dreg:$0x1];
	p0 =	sne.s32 s2, $0x0  }
0x34: {  	s3 =	rddreg [dreg:$0x2];
	[bflag:$0x3] =	sbarrier.arrive $0xFFFF;
	s2 =	simm.s32 @!p0 $0x1C01  }
0x35: {  	[timem:s3], [sflag:s2] =	dma.local @!p0 [hbm:s0], s1  }
0x36: {  	s0 =	simm.s32 @!p0 $0x1  }
0x37: {  	_ =	swait.ge @!p0 [sflag:s0], s1  }
0x38: {  	s1 =	ssub.s32 @!p0 $0x0, s1;
	[sflag:s0] =	ssyncset.done @!p0 $0x0  }
0x39: {  	[sflag:s0] =	ssyncadd.s32 @!p0 s1  }
0x3a: {  	[bflag:$0x3] =	sbarrier.arrive $0xFFFF  }
0x3b: {  	_ =	shalt  }

</sc_bundles>
